<compile_context>
chip_gen: v7x
topology: tpu7x:2x2x1
jax: 0.10.2.dev20260603
libtpu: 0.0.44.dev20260713+nightly
codegen_flags: <defaults>
</compile_context>

<pallas_src>
import functools

import jax
import jax.numpy as jnp
from jax import lax
from jax.experimental import pallas as pl
from jax.experimental.pallas import tpu as pltpu
from jax.experimental.pallas import tpu_sc as plsc

B = 8
N = 8192
G = 512
K = 32
F = 128
GB = 128
XP = 128

NC = 2
NS = 16
NW = NC * NS
ROWS = B * G * K
PER_W = ROWS // NW
CHUNK = 128
NCHUNK = PER_W // CHUNK


def _topk_body(xyz_ref, cen_ref, out_ref):
    S = 8
    Q = N // S
    cx = cen_ref[0, 0]
    cy = cen_ref[0, 1]
    cz = cen_ref[0, 2]
    g = []
    for k in range(S):
        x = xyz_ref[0, 0:1, k * Q:(k + 1) * Q]
        y = xyz_ref[0, 1:2, k * Q:(k + 1) * Q]
        z = xyz_ref[0, 2:3, k * Q:(k + 1) * Q]
        dx = cx - x
        dy = cy - y
        dz = cz - z
        d2 = (dx * dx + dy * dy) + dz * dz
        d = jnp.sqrt(jnp.maximum(d2, 0.0))
        i = lax.broadcasted_iota(jnp.int32, d.shape, 1) + k * Q
        g.append((d, i))

    def ce(a, b):
        va, ia = a
        vb, ib = b
        swap = (vb < va) | ((vb == va) & (ib < ia))
        lo = (jnp.where(swap, vb, va), jnp.where(swap, ib, ia))
        hi = (jnp.where(swap, va, vb), jnp.where(swap, ia, ib))
        return lo, hi

    network = [(0, 1), (2, 3), (4, 5), (6, 7),
               (0, 2), (1, 3), (4, 6), (5, 7),
               (1, 2), (5, 6),
               (0, 4), (1, 5), (2, 6), (3, 7),
               (2, 4), (3, 5),
               (1, 2), (3, 4), (5, 6)]
    for a, b in network:
        g[a], g[b] = ce(g[a], g[b])
    vs = [p[0] for p in g]
    ix = [p[1] for p in g]

    big_i = jnp.int32(N)
    inf = jnp.float32(jnp.inf)
    cols = []
    for _ in range(K):
        m = jnp.min(vs[0], axis=1, keepdims=True)
        gidx = jnp.min(jnp.where(vs[0] == m, ix[0], big_i), axis=1,
                       keepdims=True)
        cols.append(gidx)
        mask = ix[0] == gidx
        for s in range(S - 1):
            vs[s] = jnp.where(mask, vs[s + 1], vs[s])
            ix[s] = jnp.where(mask, ix[s + 1], ix[s])
        vs[S - 1] = jnp.where(mask, inf, vs[S - 1])
    idx_blk = jnp.concatenate(cols, axis=1)
    b = pl.program_id(0)
    out_ref[0] = idx_blk + b * N


def _topk_indices(xyz_t, cen_in):
    return pl.pallas_call(
        _topk_body,
        grid=(B, G // GB),
        in_specs=[
            pl.BlockSpec((1, 3, N), lambda b, g: (b, 0, 0)),
            pl.BlockSpec((1, 3, GB, 1), lambda b, g: (b, 0, g, 0)),
        ],
        out_specs=pl.BlockSpec((1, GB, K), lambda b, g: (b, g, 0)),
        out_shape=jax.ShapeDtypeStruct((B, G, K), jnp.int32),
        compiler_params=pltpu.CompilerParams(
            dimension_semantics=("parallel", "parallel")),
    )(xyz_t, cen_in)


def _sc_gather(feats_flat, xyzp_flat, flat_idx):
    mesh = plsc.VectorSubcoreMesh(core_axis_name="c", subcore_axis_name="s")

    @functools.partial(
        pl.kernel,
        mesh=mesh,
        out_type=[
            jax.ShapeDtypeStruct((ROWS, F), jnp.float32),
            jax.ShapeDtypeStruct((ROWS, XP), jnp.float32),
        ],
        scratch_types=[
            pltpu.VMEM((CHUNK,), jnp.int32),
            pltpu.VMEM((CHUNK,), jnp.int32),
            pltpu.VMEM((CHUNK, F), jnp.float32),
            pltpu.VMEM((CHUNK, F), jnp.float32),
            pltpu.VMEM((CHUNK, XP), jnp.float32),
            pltpu.VMEM((CHUNK, XP), jnp.float32),
            pltpu.SemaphoreType.DMA,
            pltpu.SemaphoreType.DMA,
            pltpu.SemaphoreType.DMA,
            pltpu.SemaphoreType.DMA,
        ],
    )
    def gather_kernel(feats_hbm, xyzp_hbm, idx_hbm, patch_out, neigh_out,
                      idx_a, idx_b, frows_a, frows_b, xrows_a, xrows_b,
                      sem_fa, sem_fb, sem_xa, sem_xb):
        wid = lax.axis_index("s") * NC + lax.axis_index("c")
        wbase = wid * PER_W

        def pair_step(u, carry):
            base_a = pl.multiple_of(wbase + (2 * u) * CHUNK, CHUNK)
            base_b = pl.multiple_of(wbase + (2 * u + 1) * CHUNK, CHUNK)
            pltpu.sync_copy(idx_hbm.at[pl.ds(base_a, CHUNK)], idx_a)
            cp_fa = pltpu.async_copy(feats_hbm.at[idx_a], frows_a, sem_fa)
            cp_xa = pltpu.async_copy(xyzp_hbm.at[idx_a], xrows_a, sem_xa)
            pltpu.sync_copy(idx_hbm.at[pl.ds(base_b, CHUNK)], idx_b)
            cp_fb = pltpu.async_copy(feats_hbm.at[idx_b], frows_b, sem_fb)
            cp_xb = pltpu.async_copy(xyzp_hbm.at[idx_b], xrows_b, sem_xb)
            cp_fa.wait()
            cp_xa.wait()
            pltpu.sync_copy(frows_a, patch_out.at[pl.ds(base_a, CHUNK)])
            pltpu.sync_copy(xrows_a, neigh_out.at[pl.ds(base_a, CHUNK)])
            cp_fb.wait()
            cp_xb.wait()
            pltpu.sync_copy(frows_b, patch_out.at[pl.ds(base_b, CHUNK)])
            pltpu.sync_copy(xrows_b, neigh_out.at[pl.ds(base_b, CHUNK)])
            return carry

        lax.fori_loop(0, NCHUNK // 2, pair_step, 0)

    return gather_kernel(feats_flat, xyzp_flat, flat_idx)


def kernel(xyz, feats):
    idx_c = jnp.linspace(0.0, N - 1, G).astype(jnp.int32)
    center = jnp.take(xyz, idx_c, axis=1)

    xyz_t = jnp.transpose(xyz, (0, 2, 1))
    cen_in = jnp.transpose(center, (0, 2, 1))[..., None]

    idx = _topk_indices(xyz_t, cen_in)
    flat_idx = idx.reshape(-1)

    feats_flat = feats.reshape(B * N, F)
    xyzp_flat = jnp.pad(xyz.reshape(B * N, 3), ((0, 0), (0, XP - 3)))
    patch_flat, neigh_flat = _sc_gather(feats_flat, xyzp_flat, flat_idx)

    neighborhood = neigh_flat[:, :3].reshape(B, G, K, 3)
    patch_feats = patch_flat.reshape(B, G, K, F)
    return neighborhood, center, flat_idx, patch_feats

# --- scband reference (transcript-rebuilt; emitter-appended) ---
"""Pipeline reference for scband-sparse-group-84756884619598 (READ-ONLY COPY).

The authoritative reference and input builder live on the scoring server;
editing this copy changes nothing except your own understanding.
"""

import jax, jax.numpy as jnp
import numpy as np

NUM_GROUP = 512
GROUP_SIZE = 32


def setup_inputs(seed: int = 0) -> dict:
    key = jax.random.key(seed)
    k1, k2 = jax.random.split(key)
    xyz = jax.random.uniform(k1, (8, 8192, 3), dtype=jnp.float32)
    feats = jax.random.normal(k2, (8, 8192, 128), dtype=jnp.float32)
    return {"xyz": xyz, "feats": feats}


def _group(xyz, feats, num_group, group_size):
    B, N, _ = xyz.shape
    # num_points > group_size branch; adjusted_num_group = min(num_group, N // 2)
    adjusted = min(num_group, N // 2)
    # fps(): pointnet2_utils is not imported in the original module, so the
    # try/except always falls back to evenly-spaced linspace index selection.
    idx_c = jnp.linspace(0.0, N - 1, adjusted).astype(jnp.int32)  # torch .long() truncation
    center = jnp.take(xyz, idx_c, axis=1)  # [B, G, 3]
    # knn(xyz0=xyz, xyz1=center, k=group_size): cdist + topk(largest=False)
    actual_k = min(group_size, N)
    diff = center[:, :, None, :] - xyz[:, None, :, :]  # [B, G, N, 3]
    cdist = jnp.sqrt(jnp.maximum(jnp.sum(diff * diff, axis=-1), 0.0))  # [B, G, N]
    neg_vals, idx = jax.lax.top_k(-cdist, actual_k)  # smallest distances, ascending
    idx = idx.astype(jnp.int64) if idx.dtype != jnp.int32 else idx
    # idx_base offset + clamp
    idx_base = (jnp.arange(B) * N).reshape(B, 1, 1).astype(idx.dtype)
    idx = jnp.clip(idx + idx_base, 0, B * N - 1)
    flat_idx = idx.reshape(-1)
    flat_xyz = xyz.reshape(B * N, -1)
    neighborhood = jnp.take(flat_xyz, flat_idx, axis=0).reshape(B, adjusted, group_size, 3)
    flat_feats = feats.reshape(B * N, -1)
    patch_feats = jnp.take(flat_feats, flat_idx, axis=0).reshape(B, adjusted, group_size, feats.shape[-1])
    return neighborhood, center, flat_idx, patch_feats


def reference(xyz, feats):
    return _group(xyz, feats, NUM_GROUP, GROUP_SIZE)

if __name__ == "__main__":
    import jax
    _d = setup_inputs()
    print(jax.jit(kernel)(*tuple(_d.values())))

</pallas_src>

<mosaic_0001>
#map = affine_map<(d0, d1) -> (0, 0)>
#map1 = affine_map<(d0, d1) -> (0)>
module attributes {stable_mosaic.version = 14 : i64} {
  func.func @gather_kernel(%arg0: i32, %arg1: i32, %arg2: memref<65536x128xf32, #tpu.memory_space<hbm>>, %arg3: memref<65536x128xf32, #tpu.memory_space<hbm>>, %arg4: memref<131072xi32, #tpu.memory_space<hbm>>, %arg5: memref<131072x128xf32, #tpu.memory_space<hbm>>, %arg6: memref<131072x128xf32, #tpu.memory_space<hbm>>, %arg7: memref<128xi32, #tpu.memory_space<vmem>>, %arg8: memref<128xi32, #tpu.memory_space<vmem>>, %arg9: memref<128x128xf32, #tpu.memory_space<vmem>>, %arg10: memref<128x128xf32, #tpu.memory_space<vmem>>, %arg11: memref<128x128xf32, #tpu.memory_space<vmem>>, %arg12: memref<128x128xf32, #tpu.memory_space<vmem>>, %arg13: memref<!tpu.dma_semaphore, #tpu.memory_space<semaphore_mem>>, %arg14: memref<!tpu.dma_semaphore, #tpu.memory_space<semaphore_mem>>, %arg15: memref<!tpu.dma_semaphore, #tpu.memory_space<semaphore_mem>>, %arg16: memref<!tpu.dma_semaphore, #tpu.memory_space<semaphore_mem>>) attributes {dimension_semantics = [#tpu.dimension_semantics<core_parallel>, #tpu.dimension_semantics<subcore_parallel>], iteration_bounds = array<i64: 2, 16>, scalar_prefetch = 0 : i64, scratch_operands = 10 : i64, tpu.core_type = #tpu.core_type<sc_vector_subcore>, window_params = [{transform_indices = #map}, {transform_indices = #map}, {transform_indices = #map1}, {transform_indices = #map}, {transform_indices = #map}]} {
    %mul3A = arith.constant 2 : i32
    %mul3A_0 = arith.muli %arg1, %mul3A : i32
    %add3A = arith.addi %mul3A_0, %arg0 : i32
    %mul3A_1 = arith.constant 4096 : i32
    %mul3A_2 = arith.muli %add3A, %mul3A_1 : i32
    %scan3A = arith.constant 0 : i32
    %scan3A_3 = arith.constant 0 : i32
    %scan3A_4 = arith.constant 16 : i32
    %scan3A_5 = arith.addi %scan3A_3, %scan3A_4 : i32
    %scan3A_6 = arith.constant 1 : i32
    scf.for %scan3A_8 = %scan3A_3 to %scan3A_5 step %scan3A_6  : i32 {
      %mul3A_9 = arith.constant 2 : i32
      %mul3A_10 = arith.muli %mul3A_9, %scan3A_8 : i32
      %mul3A_11 = arith.constant 128 : i32
      %mul3A_12 = arith.muli %mul3A_10, %mul3A_11 : i32
      %add3A_13 = arith.addi %mul3A_2, %mul3A_12 : i32
      %multiple_of3A = tpu.assume_multiple %add3A_13, 128 : i32
      %mul3A_14 = arith.constant 2 : i32
      %mul3A_15 = arith.muli %mul3A_14, %scan3A_8 : i32
      %add3A_16 = arith.constant 1 : i32
      %add3A_17 = arith.addi %mul3A_15, %add3A_16 : i32
      %mul3A_18 = arith.constant 128 : i32
      %mul3A_19 = arith.muli %add3A_17, %mul3A_18 : i32
      %add3A_20 = arith.addi %mul3A_2, %mul3A_19 : i32
      %multiple_of3A_21 = tpu.assume_multiple %add3A_20, 128 : i32
      "tpu.region"() ({
        %run_scoped3A = tpu.sem_alloc : memref<!tpu.dma_semaphore, #tpu.memory_space<semaphore_mem>>
        %dma_start3A_44 = tpu.memref_slice %arg4[%multiple_of3A] : memref<131072xi32, #tpu.memory_space<hbm>> -> memref<128xi32, #tpu.memory_space<hbm>>
        %dma_start3A_45 = tpu.memref_slice %arg4[%multiple_of3A] : memref<131072xi32, #tpu.memory_space<hbm>> -> memref<128xi32, #tpu.memory_space<hbm>>
        tpu.enqueue_dma source(%dma_start3A_45 : memref<128xi32, #tpu.memory_space<hbm>>) target(%arg7 : memref<128xi32, #tpu.memory_space<vmem>>) target_semaphore(%run_scoped3A : memref<!tpu.dma_semaphore, #tpu.memory_space<semaphore_mem>>)
        %dma_wait3A_46 = tpu.memref_slice %arg4[%multiple_of3A] : memref<131072xi32, #tpu.memory_space<hbm>> -> memref<128xi32, #tpu.memory_space<hbm>>
        %dma_wait3A_47 = tpu.memref_slice %arg4[%multiple_of3A] : memref<131072xi32, #tpu.memory_space<hbm>> -> memref<128xi32, #tpu.memory_space<hbm>>
        tpu.wait_dma2 semaphore(%run_scoped3A : memref<!tpu.dma_semaphore, #tpu.memory_space<semaphore_mem>>) src(%dma_wait3A_47 : memref<128xi32, #tpu.memory_space<hbm>>) dst(%arg7 : memref<128xi32, #tpu.memory_space<vmem>>)
        tpu.yield
      }) : () -> ()
      %dma_start3A = arith.constant 0 : i32
      %dma_start3A_22 = arith.constant 0 : i32
      %dma_start3A_23 = tpu.memref_slice %arg2[%dma_start3A, %dma_start3A_22] : memref<65536x128xf32, #tpu.memory_space<hbm>> -> memref<65536x128xf32, #tpu.memory_space<hbm>>
      tpu.enqueue_indirect_dma source(%dma_start3A_23 : memref<65536x128xf32, #tpu.memory_space<hbm>>) target(%arg9 : memref<128x128xf32, #tpu.memory_space<vmem>>) offsets(%arg7 : memref<128xi32, #tpu.memory_space<vmem>>) semaphore(%arg13 : memref<!tpu.dma_semaphore, #tpu.memory_space<semaphore_mem>>)
      %dma_start3A_24 = arith.constant 0 : i32
      %dma_start3A_25 = arith.constant 0 : i32
      %dma_start3A_26 = tpu.memref_slice %arg3[%dma_start3A_24, %dma_start3A_25] : memref<65536x128xf32, #tpu.memory_space<hbm>> -> memref<65536x128xf32, #tpu.memory_space<hbm>>
      tpu.enqueue_indirect_dma source(%dma_start3A_26 : memref<65536x128xf32, #tpu.memory_space<hbm>>) target(%arg11 : memref<128x128xf32, #tpu.memory_space<vmem>>) offsets(%arg7 : memref<128xi32, #tpu.memory_space<vmem>>) semaphore(%arg15 : memref<!tpu.dma_semaphore, #tpu.memory_space<semaphore_mem>>)
      "tpu.region"() ({
        %run_scoped3A = tpu.sem_alloc : memref<!tpu.dma_semaphore, #tpu.memory_space<semaphore_mem>>
        %dma_start3A_44 = tpu.memref_slice %arg4[%multiple_of3A_21] : memref<131072xi32, #tpu.memory_space<hbm>> -> memref<128xi32, #tpu.memory_space<hbm>>
        %dma_start3A_45 = tpu.memref_slice %arg4[%multiple_of3A_21] : memref<131072xi32, #tpu.memory_space<hbm>> -> memref<128xi32, #tpu.memory_space<hbm>>
        tpu.enqueue_dma source(%dma_start3A_45 : memref<128xi32, #tpu.memory_space<hbm>>) target(%arg8 : memref<128xi32, #tpu.memory_space<vmem>>) target_semaphore(%run_scoped3A : memref<!tpu.dma_semaphore, #tpu.memory_space<semaphore_mem>>)
        %dma_wait3A_46 = tpu.memref_slice %arg4[%multiple_of3A_21] : memref<131072xi32, #tpu.memory_space<hbm>> -> memref<128xi32, #tpu.memory_space<hbm>>
        %dma_wait3A_47 = tpu.memref_slice %arg4[%multiple_of3A_21] : memref<131072xi32, #tpu.memory_space<hbm>> -> memref<128xi32, #tpu.memory_space<hbm>>
        tpu.wait_dma2 semaphore(%run_scoped3A : memref<!tpu.dma_semaphore, #tpu.memory_space<semaphore_mem>>) src(%dma_wait3A_47 : memref<128xi32, #tpu.memory_space<hbm>>) dst(%arg8 : memref<128xi32, #tpu.memory_space<vmem>>)
        tpu.yield
      }) : () -> ()
      %dma_start3A_27 = arith.constant 0 : i32
      %dma_start3A_28 = arith.constant 0 : i32
      %dma_start3A_29 = tpu.memref_slice %arg2[%dma_start3A_27, %dma_start3A_28] : memref<65536x128xf32, #tpu.memory_space<hbm>> -> memref<65536x128xf32, #tpu.memory_space<hbm>>
      tpu.enqueue_indirect_dma source(%dma_start3A_29 : memref<65536x128xf32, #tpu.memory_space<hbm>>) target(%arg10 : memref<128x128xf32, #tpu.memory_space<vmem>>) offsets(%arg8 : memref<128xi32, #tpu.memory_space<vmem>>) semaphore(%arg14 : memref<!tpu.dma_semaphore, #tpu.memory_space<semaphore_mem>>)
      %dma_start3A_30 = arith.constant 0 : i32
      %dma_start3A_31 = arith.constant 0 : i32
      %dma_start3A_32 = tpu.memref_slice %arg3[%dma_start3A_30, %dma_start3A_31] : memref<65536x128xf32, #tpu.memory_space<hbm>> -> memref<65536x128xf32, #tpu.memory_space<hbm>>
      tpu.enqueue_indirect_dma source(%dma_start3A_32 : memref<65536x128xf32, #tpu.memory_space<hbm>>) target(%arg12 : memref<128x128xf32, #tpu.memory_space<vmem>>) offsets(%arg8 : memref<128xi32, #tpu.memory_space<vmem>>) semaphore(%arg16 : memref<!tpu.dma_semaphore, #tpu.memory_space<semaphore_mem>>)
      %dma_wait3A = arith.constant 0 : i32
      %dma_wait3A_33 = arith.constant 0 : i32
      %dma_wait3A_34 = tpu.memref_slice %arg2[%dma_wait3A, %dma_wait3A_33] : memref<65536x128xf32, #tpu.memory_space<hbm>> -> memref<65536x128xf32, #tpu.memory_space<hbm>>
      tpu.wait_indirect_dma semaphore(%arg13 : memref<!tpu.dma_semaphore, #tpu.memory_space<semaphore_mem>>) src(%dma_wait3A_34 : memref<65536x128xf32, #tpu.memory_space<hbm>>) dst(%arg9 : memref<128x128xf32, #tpu.memory_space<vmem>>)
      %dma_wait3A_35 = arith.constant 0 : i32
      %dma_wait3A_36 = arith.constant 0 : i32
      %dma_wait3A_37 = tpu.memref_slice %arg3[%dma_wait3A_35, %dma_wait3A_36] : memref<65536x128xf32, #tpu.memory_space<hbm>> -> memref<65536x128xf32, #tpu.memory_space<hbm>>
      tpu.wait_indirect_dma semaphore(%arg15 : memref<!tpu.dma_semaphore, #tpu.memory_space<semaphore_mem>>) src(%dma_wait3A_37 : memref<65536x128xf32, #tpu.memory_space<hbm>>) dst(%arg11 : memref<128x128xf32, #tpu.memory_space<vmem>>)
      "tpu.region"() ({
        %run_scoped3A = tpu.sem_alloc : memref<!tpu.dma_semaphore, #tpu.memory_space<semaphore_mem>>
        %dma_start3A_44 = arith.constant 0 : i32
        %dma_start3A_45 = tpu.memref_slice %arg5[%multiple_of3A, %dma_start3A_44] : memref<131072x128xf32, #tpu.memory_space<hbm>> -> memref<128x128xf32, #tpu.memory_space<hbm>>
        %dma_start3A_46 = arith.constant 0 : i32
        %dma_start3A_47 = tpu.memref_slice %arg5[%multiple_of3A, %dma_start3A_46] : memref<131072x128xf32, #tpu.memory_space<hbm>> -> memref<128x128xf32, #tpu.memory_space<hbm>>
        tpu.enqueue_dma source(%arg9 : memref<128x128xf32, #tpu.memory_space<vmem>>) target(%dma_start3A_47 : memref<128x128xf32, #tpu.memory_space<hbm>>) target_semaphore(%run_scoped3A : memref<!tpu.dma_semaphore, #tpu.memory_space<semaphore_mem>>)
        %dma_wait3A_48 = arith.constant 0 : i32
        %dma_wait3A_49 = tpu.memref_slice %arg5[%multiple_of3A, %dma_wait3A_48] : memref<131072x128xf32, #tpu.memory_space<hbm>> -> memref<128x128xf32, #tpu.memory_space<hbm>>
        %dma_wait3A_50 = arith.constant 0 : i32
        %dma_wait3A_51 = tpu.memref_slice %arg5[%multiple_of3A, %dma_wait3A_50] : memref<131072x128xf32, #tpu.memory_space<hbm>> -> memref<128x128xf32, #tpu.memory_space<hbm>>
        tpu.wait_dma2 semaphore(%run_scoped3A : memref<!tpu.dma_semaphore, #tpu.memory_space<semaphore_mem>>) src(%arg9 : memref<128x128xf32, #tpu.memory_space<vmem>>) dst(%dma_wait3A_51 : memref<128x128xf32, #tpu.memory_space<hbm>>)
        tpu.yield
      }) : () -> ()
      "tpu.region"() ({
        %run_scoped3A = tpu.sem_alloc : memref<!tpu.dma_semaphore, #tpu.memory_space<semaphore_mem>>
        %dma_start3A_44 = arith.constant 0 : i32
        %dma_start3A_45 = tpu.memref_slice %arg6[%multiple_of3A, %dma_start3A_44] : memref<131072x128xf32, #tpu.memory_space<hbm>> -> memref<128x128xf32, #tpu.memory_space<hbm>>
        %dma_start3A_46 = arith.constant 0 : i32
        %dma_start3A_47 = tpu.memref_slice %arg6[%multiple_of3A, %dma_start3A_46] : memref<131072x128xf32, #tpu.memory_space<hbm>> -> memref<128x128xf32, #tpu.memory_space<hbm>>
        tpu.enqueue_dma source(%arg11 : memref<128x128xf32, #tpu.memory_space<vmem>>) target(%dma_start3A_47 : memref<128x128xf32, #tpu.memory_space<hbm>>) target_semaphore(%run_scoped3A : memref<!tpu.dma_semaphore, #tpu.memory_space<semaphore_mem>>)
        %dma_wait3A_48 = arith.constant 0 : i32
        %dma_wait3A_49 = tpu.memref_slice %arg6[%multiple_of3A, %dma_wait3A_48] : memref<131072x128xf32, #tpu.memory_space<hbm>> -> memref<128x128xf32, #tpu.memory_space<hbm>>
        %dma_wait3A_50 = arith.constant 0 : i32
        %dma_wait3A_51 = tpu.memref_slice %arg6[%multiple_of3A, %dma_wait3A_50] : memref<131072x128xf32, #tpu.memory_space<hbm>> -> memref<128x128xf32, #tpu.memory_space<hbm>>
        tpu.wait_dma2 semaphore(%run_scoped3A : memref<!tpu.dma_semaphore, #tpu.memory_space<semaphore_mem>>) src(%arg11 : memref<128x128xf32, #tpu.memory_space<vmem>>) dst(%dma_wait3A_51 : memref<128x128xf32, #tpu.memory_space<hbm>>)
        tpu.yield
      }) : () -> ()
      %dma_wait3A_38 = arith.constant 0 : i32
      %dma_wait3A_39 = arith.constant 0 : i32
      %dma_wait3A_40 = tpu.memref_slice %arg2[%dma_wait3A_38, %dma_wait3A_39] : memref<65536x128xf32, #tpu.memory_space<hbm>> -> memref<65536x128xf32, #tpu.memory_space<hbm>>
      tpu.wait_indirect_dma semaphore(%arg14 : memref<!tpu.dma_semaphore, #tpu.memory_space<semaphore_mem>>) src(%dma_wait3A_40 : memref<65536x128xf32, #tpu.memory_space<hbm>>) dst(%arg10 : memref<128x128xf32, #tpu.memory_space<vmem>>)
      %dma_wait3A_41 = arith.constant 0 : i32
      %dma_wait3A_42 = arith.constant 0 : i32
      %dma_wait3A_43 = tpu.memref_slice %arg3[%dma_wait3A_41, %dma_wait3A_42] : memref<65536x128xf32, #tpu.memory_space<hbm>> -> memref<65536x128xf32, #tpu.memory_space<hbm>>
      tpu.wait_indirect_dma semaphore(%arg16 : memref<!tpu.dma_semaphore, #tpu.memory_space<semaphore_mem>>) src(%dma_wait3A_43 : memref<65536x128xf32, #tpu.memory_space<hbm>>) dst(%arg12 : memref<128x128xf32, #tpu.memory_space<vmem>>)
      "tpu.region"() ({
        %run_scoped3A = tpu.sem_alloc : memref<!tpu.dma_semaphore, #tpu.memory_space<semaphore_mem>>
        %dma_start3A_44 = arith.constant 0 : i32
        %dma_start3A_45 = tpu.memref_slice %arg5[%multiple_of3A_21, %dma_start3A_44] : memref<131072x128xf32, #tpu.memory_space<hbm>> -> memref<128x128xf32, #tpu.memory_space<hbm>>
        %dma_start3A_46 = arith.constant 0 : i32
        %dma_start3A_47 = tpu.memref_slice %arg5[%multiple_of3A_21, %dma_start3A_46] : memref<131072x128xf32, #tpu.memory_space<hbm>> -> memref<128x128xf32, #tpu.memory_space<hbm>>
        tpu.enqueue_dma source(%arg10 : memref<128x128xf32, #tpu.memory_space<vmem>>) target(%dma_start3A_47 : memref<128x128xf32, #tpu.memory_space<hbm>>) target_semaphore(%run_scoped3A : memref<!tpu.dma_semaphore, #tpu.memory_space<semaphore_mem>>)
        %dma_wait3A_48 = arith.constant 0 : i32
        %dma_wait3A_49 = tpu.memref_slice %arg5[%multiple_of3A_21, %dma_wait3A_48] : memref<131072x128xf32, #tpu.memory_space<hbm>> -> memref<128x128xf32, #tpu.memory_space<hbm>>
        %dma_wait3A_50 = arith.constant 0 : i32
        %dma_wait3A_51 = tpu.memref_slice %arg5[%multiple_of3A_21, %dma_wait3A_50] : memref<131072x128xf32, #tpu.memory_space<hbm>> -> memref<128x128xf32, #tpu.memory_space<hbm>>
        tpu.wait_dma2 semaphore(%run_scoped3A : memref<!tpu.dma_semaphore, #tpu.memory_space<semaphore_mem>>) src(%arg10 : memref<128x128xf32, #tpu.memory_space<vmem>>) dst(%dma_wait3A_51 : memref<128x128xf32, #tpu.memory_space<hbm>>)
        tpu.yield
      }) : () -> ()
      "tpu.region"() ({
        %run_scoped3A = tpu.sem_alloc : memref<!tpu.dma_semaphore, #tpu.memory_space<semaphore_mem>>
        %dma_start3A_44 = arith.constant 0 : i32
        %dma_start3A_45 = tpu.memref_slice %arg6[%multiple_of3A_21, %dma_start3A_44] : memref<131072x128xf32, #tpu.memory_space<hbm>> -> memref<128x128xf32, #tpu.memory_space<hbm>>
        %dma_start3A_46 = arith.constant 0 : i32
        %dma_start3A_47 = tpu.memref_slice %arg6[%multiple_of3A_21, %dma_start3A_46] : memref<131072x128xf32, #tpu.memory_space<hbm>> -> memref<128x128xf32, #tpu.memory_space<hbm>>
        tpu.enqueue_dma source(%arg12 : memref<128x128xf32, #tpu.memory_space<vmem>>) target(%dma_start3A_47 : memref<128x128xf32, #tpu.memory_space<hbm>>) target_semaphore(%run_scoped3A : memref<!tpu.dma_semaphore, #tpu.memory_space<semaphore_mem>>)
        %dma_wait3A_48 = arith.constant 0 : i32
        %dma_wait3A_49 = tpu.memref_slice %arg6[%multiple_of3A_21, %dma_wait3A_48] : memref<131072x128xf32, #tpu.memory_space<hbm>> -> memref<128x128xf32, #tpu.memory_space<hbm>>
        %dma_wait3A_50 = arith.constant 0 : i32
        %dma_wait3A_51 = tpu.memref_slice %arg6[%multiple_of3A_21, %dma_wait3A_50] : memref<131072x128xf32, #tpu.memory_space<hbm>> -> memref<128x128xf32, #tpu.memory_space<hbm>>
        tpu.wait_dma2 semaphore(%run_scoped3A : memref<!tpu.dma_semaphore, #tpu.memory_space<semaphore_mem>>) src(%arg12 : memref<128x128xf32, #tpu.memory_space<vmem>>) dst(%dma_wait3A_51 : memref<128x128xf32, #tpu.memory_space<hbm>>)
        tpu.yield
      }) : () -> ()
    }
    %scan3A_7 = arith.constant 16 : i32
    return
  }
}

module attributes {stable_mosaic.version = 14 : i64} {
  func.func @_topk_body(%arg0: i32, %arg1: i32, %arg2: memref<1x3x8192xf32, #tpu.memory_space<vmem>>, %arg3: memref<1x3x128x1xf32, #tpu.memory_space<vmem>>, %arg4: memref<1x128x32xi32, #tpu.memory_space<vmem>>) attributes {dimension_semantics = [#tpu.dimension_semantics<parallel>, #tpu.dimension_semantics<parallel>], iteration_bounds = array<i64: 8, 4>, scalar_prefetch = 0 : i64, scratch_operands = 0 : i64, tpu.core_type = #tpu.core_type<tc>, window_params = [{transform_indices = @transform_0, window_bounds = array<i64: 1, 3, 8192>}, {transform_indices = @transform_1, window_bounds = array<i64: 1, 3, 128, 1>}, {transform_indices = @transform_2, window_bounds = array<i64: 1, 128, 32>}]} {
    %get3A = arith.constant 0 : index
    %get3A_0 = arith.constant 0 : index
    %get3A_1 = arith.constant 0 : index
    %get3A_2 = arith.constant 0 : index
    %get3A_3 = vector.load %arg3[%get3A, %get3A_0, %get3A_1, %get3A_2] : memref<1x3x128x1xf32, #tpu.memory_space<vmem>>, vector<1x1x128x1xf32>
    %get3A_4 = vector.shape_cast %get3A_3 : vector<1x1x128x1xf32> to vector<128x1xf32>
    %get3A_5 = arith.constant 0 : index
    %get3A_6 = arith.constant 1 : index
    %get3A_7 = arith.constant 0 : index
    %get3A_8 = arith.constant 0 : index
    %get3A_9 = vector.load %arg3[%get3A_5, %get3A_6, %get3A_7, %get3A_8] : memref<1x3x128x1xf32, #tpu.memory_space<vmem>>, vector<1x1x128x1xf32>
    %get3A_10 = vector.shape_cast %get3A_9 : vector<1x1x128x1xf32> to vector<128x1xf32>
    %get3A_11 = arith.constant 0 : index
    %get3A_12 = arith.constant 2 : index
    %get3A_13 = arith.constant 0 : index
    %get3A_14 = arith.constant 0 : index
    %get3A_15 = vector.load %arg3[%get3A_11, %get3A_12, %get3A_13, %get3A_14] : memref<1x3x128x1xf32, #tpu.memory_space<vmem>>, vector<1x1x128x1xf32>
    %get3A_16 = vector.shape_cast %get3A_15 : vector<1x1x128x1xf32> to vector<128x1xf32>
    %get3A_17 = arith.constant 0 : index
    %get3A_18 = arith.constant 0 : index
    %get3A_19 = arith.constant 0 : index
    %get3A_20 = vector.load %arg2[%get3A_17, %get3A_18, %get3A_19] : memref<1x3x8192xf32, #tpu.memory_space<vmem>>, vector<1x1x1024xf32>
    %get3A_21 = vector.shape_cast %get3A_20 : vector<1x1x1024xf32> to vector<1x1024xf32>
    %get3A_22 = arith.constant 0 : index
    %get3A_23 = arith.constant 1 : index
    %get3A_24 = arith.constant 0 : index
    %get3A_25 = vector.load %arg2[%get3A_22, %get3A_23, %get3A_24] : memref<1x3x8192xf32, #tpu.memory_space<vmem>>, vector<1x1x1024xf32>
    %get3A_26 = vector.shape_cast %get3A_25 : vector<1x1x1024xf32> to vector<1x1024xf32>
    %get3A_27 = arith.constant 0 : index
    %get3A_28 = arith.constant 2 : index
    %get3A_29 = arith.constant 0 : index
    %get3A_30 = vector.load %arg2[%get3A_27, %get3A_28, %get3A_29] : memref<1x3x8192xf32, #tpu.memory_space<vmem>>, vector<1x1x1024xf32>
    %get3A_31 = vector.shape_cast %get3A_30 : vector<1x1x1024xf32> to vector<1x1024xf32>
    %sub3A = vector.broadcast %get3A_4 : vector<128x1xf32> to vector<128x1024xf32>
    %sub3A_32 = vector.broadcast %get3A_21 : vector<1x1024xf32> to vector<128x1024xf32>
    %sub3A_33 = arith.subf %sub3A, %sub3A_32 : vector<128x1024xf32>
    %sub3A_34 = vector.broadcast %get3A_10 : vector<128x1xf32> to vector<128x1024xf32>
    %sub3A_35 = vector.broadcast %get3A_26 : vector<1x1024xf32> to vector<128x1024xf32>
    %sub3A_36 = arith.subf %sub3A_34, %sub3A_35 : vector<128x1024xf32>
    %sub3A_37 = vector.broadcast %get3A_16 : vector<128x1xf32> to vector<128x1024xf32>
    %sub3A_38 = vector.broadcast %get3A_31 : vector<1x1024xf32> to vector<128x1024xf32>
    %sub3A_39 = arith.subf %sub3A_37, %sub3A_38 : vector<128x1024xf32>
    %mul3A = arith.mulf %sub3A_33, %sub3A_33 : vector<128x1024xf32>
    %mul3A_40 = arith.mulf %sub3A_36, %sub3A_36 : vector<128x1024xf32>
    %add3A = arith.addf %mul3A, %mul3A_40 : vector<128x1024xf32>
    %mul3A_41 = arith.mulf %sub3A_39, %sub3A_39 : vector<128x1024xf32>
    %add3A_42 = arith.addf %add3A, %mul3A_41 : vector<128x1024xf32>
    %max3A = arith.constant 0.000000e+00 : f32
    %max3A_43 = vector.broadcast %max3A : f32 to vector<128x1024xf32>
    %max3A_44 = arith.maximumf %add3A_42, %max3A_43 : vector<128x1024xf32>
    %sqrt3A = math.sqrt %max3A_44 : vector<128x1024xf32>
    %iota3A = tpu.iota {dimensions = array<i32: 1>} : vector<128x1024xi32>
    %add3A_45 = arith.constant 0 : i32
    %add3A_46 = vector.broadcast %add3A_45 : i32 to vector<128x1024xi32>
    %add3A_47 = arith.addi %iota3A, %add3A_46 : vector<128x1024xi32>
    %get3A_48 = arith.constant 0 : index
    %get3A_49 = arith.constant 0 : index
    %get3A_50 = arith.constant 1024 : index
    %get3A_51 = vector.load %arg2[%get3A_48, %get3A_49, %get3A_50] : memref<1x3x8192xf32, #tpu.memory_space<vmem>>, vector<1x1x1024xf32>
    %get3A_52 = vector.shape_cast %get3A_51 : vector<1x1x1024xf32> to vector<1x1024xf32>
    %get3A_53 = arith.constant 0 : index
    %get3A_54 = arith.constant 1 : index
    %get3A_55 = arith.constant 1024 : index
    %get3A_56 = vector.load %arg2[%get3A_53, %get3A_54, %get3A_55] : memref<1x3x8192xf32, #tpu.memory_space<vmem>>, vector<1x1x1024xf32>
    %get3A_57 = vector.shape_cast %get3A_56 : vector<1x1x1024xf32> to vector<1x1024xf32>
    %get3A_58 = arith.constant 0 : index
    %get3A_59 = arith.constant 2 : index
    %get3A_60 = arith.constant 1024 : index
    %get3A_61 = vector.load %arg2[%get3A_58, %get3A_59, %get3A_60] : memref<1x3x8192xf32, #tpu.memory_space<vmem>>, vector<1x1x1024xf32>
    %get3A_62 = vector.shape_cast %get3A_61 : vector<1x1x1024xf32> to vector<1x1024xf32>
    %sub3A_63 = vector.broadcast %get3A_4 : vector<128x1xf32> to vector<128x1024xf32>
    %sub3A_64 = vector.broadcast %get3A_52 : vector<1x1024xf32> to vector<128x1024xf32>
    %sub3A_65 = arith.subf %sub3A_63, %sub3A_64 : vector<128x1024xf32>
    %sub3A_66 = vector.broadcast %get3A_10 : vector<128x1xf32> to vector<128x1024xf32>
    %sub3A_67 = vector.broadcast %get3A_57 : vector<1x1024xf32> to vector<128x1024xf32>
    %sub3A_68 = arith.subf %sub3A_66, %sub3A_67 : vector<128x1024xf32>
    %sub3A_69 = vector.broadcast %get3A_16 : vector<128x1xf32> to vector<128x1024xf32>
    %sub3A_70 = vector.broadcast %get3A_62 : vector<1x1024xf32> to vector<128x1024xf32>
    %sub3A_71 = arith.subf %sub3A_69, %sub3A_70 : vector<128x1024xf32>
    %mul3A_72 = arith.mulf %sub3A_65, %sub3A_65 : vector<128x1024xf32>
    %mul3A_73 = arith.mulf %sub3A_68, %sub3A_68 : vector<128x1024xf32>
    %add3A_74 = arith.addf %mul3A_72, %mul3A_73 : vector<128x1024xf32>
    %mul3A_75 = arith.mulf %sub3A_71, %sub3A_71 : vector<128x1024xf32>
    %add3A_76 = arith.addf %add3A_74, %mul3A_75 : vector<128x1024xf32>
    %max3A_77 = arith.constant 0.000000e+00 : f32
    %max3A_78 = vector.broadcast %max3A_77 : f32 to vector<128x1024xf32>
    %max3A_79 = arith.maximumf %add3A_76, %max3A_78 : vector<128x1024xf32>
    %sqrt3A_80 = math.sqrt %max3A_79 : vector<128x1024xf32>
    %iota3A_81 = tpu.iota {dimensions = array<i32: 1>} : vector<128x1024xi32>
    %add3A_82 = arith.constant 1024 : i32
    %add3A_83 = vector.broadcast %add3A_82 : i32 to vector<128x1024xi32>
    %add3A_84 = arith.addi %iota3A_81, %add3A_83 : vector<128x1024xi32>
    %get3A_85 = arith.constant 0 : index
    %get3A_86 = arith.constant 0 : index
    %get3A_87 = arith.constant 2048 : index
    %get3A_88 = vector.load %arg2[%get3A_85, %get3A_86, %get3A_87] : memref<1x3x8192xf32, #tpu.memory_space<vmem>>, vector<1x1x1024xf32>
    %get3A_89 = vector.shape_cast %get3A_88 : vector<1x1x1024xf32> to vector<1x1024xf32>
    %get3A_90 = arith.constant 0 : index
    %get3A_91 = arith.constant 1 : index
    %get3A_92 = arith.constant 2048 : index
    %get3A_93 = vector.load %arg2[%get3A_90, %get3A_91, %get3A_92] : memref<1x3x8192xf32, #tpu.memory_space<vmem>>, vector<1x1x1024xf32>
    %get3A_94 = vector.shape_cast %get3A_93 : vector<1x1x1024xf32> to vector<1x1024xf32>
    %get3A_95 = arith.constant 0 : index
    %get3A_96 = arith.constant 2 : index
    %get3A_97 = arith.constant 2048 : index
    %get3A_98 = vector.load %arg2[%get3A_95, %get3A_96, %get3A_97] : memref<1x3x8192xf32, #tpu.memory_space<vmem>>, vector<1x1x1024xf32>
    %get3A_99 = vector.shape_cast %get3A_98 : vector<1x1x1024xf32> to vector<1x1024xf32>
    %sub3A_100 = vector.broadcast %get3A_4 : vector<128x1xf32> to vector<128x1024xf32>
    %sub3A_101 = vector.broadcast %get3A_89 : vector<1x1024xf32> to vector<128x1024xf32>
    %sub3A_102 = arith.subf %sub3A_100, %sub3A_101 : vector<128x1024xf32>
    %sub3A_103 = vector.broadcast %get3A_10 : vector<128x1xf32> to vector<128x1024xf32>
    %sub3A_104 = vector.broadcast %get3A_94 : vector<1x1024xf32> to vector<128x1024xf32>
    %sub3A_105 = arith.subf %sub3A_103, %sub3A_104 : vector<128x1024xf32>
    %sub3A_106 = vector.broadcast %get3A_16 : vector<128x1xf32> to vector<128x1024xf32>
    %sub3A_107 = vector.broadcast %get3A_99 : vector<1x1024xf32> to vector<128x1024xf32>
    %sub3A_108 = arith.subf %sub3A_106, %sub3A_107 : vector<128x1024xf32>
    %mul3A_109 = arith.mulf %sub3A_102, %sub3A_102 : vector<128x1024xf32>
    %mul3A_110 = arith.mulf %sub3A_105, %sub3A_105 : vector<128x1024xf32>
    %add3A_111 = arith.addf %mul3A_109, %mul3A_110 : vector<128x1024xf32>
    %mul3A_112 = arith.mulf %sub3A_108, %sub3A_108 : vector<128x1024xf32>
    %add3A_113 = arith.addf %add3A_111, %mul3A_112 : vector<128x1024xf32>
    %max3A_114 = arith.constant 0.000000e+00 : f32
    %max3A_115 = vector.broadcast %max3A_114 : f32 to vector<128x1024xf32>
    %max3A_116 = arith.maximumf %add3A_113, %max3A_115 : vector<128x1024xf32>
    %sqrt3A_117 = math.sqrt %max3A_116 : vector<128x1024xf32>
    %iota3A_118 = tpu.iota {dimensions = array<i32: 1>} : vector<128x1024xi32>
    %add3A_119 = arith.constant 2048 : i32
    %add3A_120 = vector.broadcast %add3A_119 : i32 to vector<128x1024xi32>
    %add3A_121 = arith.addi %iota3A_118, %add3A_120 : vector<128x1024xi32>
    %get3A_122 = arith.constant 0 : index
    %get3A_123 = arith.constant 0 : index
    %get3A_124 = arith.constant 3072 : index
    %get3A_125 = vector.load %arg2[%get3A_122, %get3A_123, %get3A_124] : memref<1x3x8192xf32, #tpu.memory_space<vmem>>, vector<1x1x1024xf32>
    %get3A_126 = vector.shape_cast %get3A_125 : vector<1x1x1024xf32> to vector<1x1024xf32>
    %get3A_127 = arith.constant 0 : index
    %get3A_128 = arith.constant 1 : index
    %get3A_129 = arith.constant 3072 : index
    %get3A_130 = vector.load %arg2[%get3A_127, %get3A_128, %get3A_129] : memref<1x3x8192xf32, #tpu.memory_space<vmem>>, vector<1x1x1024xf32>
    %get3A_131 = vector.shape_cast %get3A_130 : vector<1x1x1024xf32> to vector<1x1024xf32>
    %get3A_132 = arith.constant 0 : index
    %get3A_133 = arith.constant 2 : index
    %get3A_134 = arith.constant 3072 : index
    %get3A_135 = vector.load %arg2[%get3A_132, %get3A_133, %get3A_134] : memref<1x3x8192xf32, #tpu.memory_space<vmem>>, vector<1x1x1024xf32>
    %get3A_136 = vector.shape_cast %get3A_135 : vector<1x1x1024xf32> to vector<1x1024xf32>
    %sub3A_137 = vector.broadcast %get3A_4 : vector<128x1xf32> to vector<128x1024xf32>
    %sub3A_138 = vector.broadcast %get3A_126 : vector<1x1024xf32> to vector<128x1024xf32>
    %sub3A_139 = arith.subf %sub3A_137, %sub3A_138 : vector<128x1024xf32>
    %sub3A_140 = vector.broadcast %get3A_10 : vector<128x1xf32> to vector<128x1024xf32>
    %sub3A_141 = vector.broadcast %get3A_131 : vector<1x1024xf32> to vector<128x1024xf32>
    %sub3A_142 = arith.subf %sub3A_140, %sub3A_141 : vector<128x1024xf32>
    %sub3A_143 = vector.broadcast %get3A_16 : vector<128x1xf32> to vector<128x1024xf32>
    %sub3A_144 = vector.broadcast %get3A_136 : vector<1x1024xf32> to vector<128x1024xf32>
    %sub3A_145 = arith.subf %sub3A_143, %sub3A_144 : vector<128x1024xf32>
    %mul3A_146 = arith.mulf %sub3A_139, %sub3A_139 : vector<128x1024xf32>
    %mul3A_147 = arith.mulf %sub3A_142, %sub3A_142 : vector<128x1024xf32>
    %add3A_148 = arith.addf %mul3A_146, %mul3A_147 : vector<128x1024xf32>
    %mul3A_149 = arith.mulf %sub3A_145, %sub3A_145 : vector<128x1024xf32>
    %add3A_150 = arith.addf %add3A_148, %mul3A_149 : vector<128x1024xf32>
    %max3A_151 = arith.constant 0.000000e+00 : f32
    %max3A_152 = vector.broadcast %max3A_151 : f32 to vector<128x1024xf32>
    %max3A_153 = arith.maximumf %add3A_150, %max3A_152 : vector<128x1024xf32>
    %sqrt3A_154 = math.sqrt %max3A_153 : vector<128x1024xf32>
    %iota3A_155 = tpu.iota {dimensions = array<i32: 1>} : vector<128x1024xi32>
    %add3A_156 = arith.constant 3072 : i32
    %add3A_157 = vector.broadcast %add3A_156 : i32 to vector<128x1024xi32>
    %add3A_158 = arith.addi %iota3A_155, %add3A_157 : vector<128x1024xi32>
    %get3A_159 = arith.constant 0 : index
    %get3A_160 = arith.constant 0 : index
    %get3A_161 = arith.constant 4096 : index
    %get3A_162 = vector.load %arg2[%get3A_159, %get3A_160, %get3A_161] : memref<1x3x8192xf32, #tpu.memory_space<vmem>>, vector<1x1x1024xf32>
    %get3A_163 = vector.shape_cast %get3A_162 : vector<1x1x1024xf32> to vector<1x1024xf32>
    %get3A_164 = arith.constant 0 : index
    %get3A_165 = arith.constant 1 : index
    %get3A_166 = arith.constant 4096 : index
    %get3A_167 = vector.load %arg2[%get3A_164, %get3A_165, %get3A_166] : memref<1x3x8192xf32, #tpu.memory_space<vmem>>, vector<1x1x1024xf32>
    %get3A_168 = vector.shape_cast %get3A_167 : vector<1x1x1024xf32> to vector<1x1024xf32>
    %get3A_169 = arith.constant 0 : index
    %get3A_170 = arith.constant 2 : index
    %get3A_171 = arith.constant 4096 : index
    %get3A_172 = vector.load %arg2[%get3A_169, %get3A_170, %get3A_171] : memref<1x3x8192xf32, #tpu.memory_space<vmem>>, vector<1x1x1024xf32>
    %get3A_173 = vector.shape_cast %get3A_172 : vector<1x1x1024xf32> to vector<1x1024xf32>
    %sub3A_174 = vector.broadcast %get3A_4 : vector<128x1xf32> to vector<128x1024xf32>
    %sub3A_175 = vector.broadcast %get3A_163 : vector<1x1024xf32> to vector<128x1024xf32>
    %sub3A_176 = arith.subf %sub3A_174, %sub3A_175 : vector<128x1024xf32>
    %sub3A_177 = vector.broadcast %get3A_10 : vector<128x1xf32> to vector<128x1024xf32>
    %sub3A_178 = vector.broadcast %get3A_168 : vector<1x1024xf32> to vector<128x1024xf32>
    %sub3A_179 = arith.subf %sub3A_177, %sub3A_178 : vector<128x1024xf32>
    %sub3A_180 = vector.broadcast %get3A_16 : vector<128x1xf32> to vector<128x1024xf32>
    %sub3A_181 = vector.broadcast %get3A_173 : vector<1x1024xf32> to vector<128x1024xf32>
    %sub3A_182 = arith.subf %sub3A_180, %sub3A_181 : vector<128x1024xf32>
    %mul3A_183 = arith.mulf %sub3A_176, %sub3A_176 : vector<128x1024xf32>
    %mul3A_184 = arith.mulf %sub3A_179, %sub3A_179 : vector<128x1024xf32>
    %add3A_185 = arith.addf %mul3A_183, %mul3A_184 : vector<128x1024xf32>
    %mul3A_186 = arith.mulf %sub3A_182, %sub3A_182 : vector<128x1024xf32>
    %add3A_187 = arith.addf %add3A_185, %mul3A_186 : vector<128x1024xf32>
    %max3A_188 = arith.constant 0.000000e+00 : f32
    %max3A_189 = vector.broadcast %max3A_188 : f32 to vector<128x1024xf32>
    %max3A_190 = arith.maximumf %add3A_187, %max3A_189 : vector<128x1024xf32>
    %sqrt3A_191 = math.sqrt %max3A_190 : vector<128x1024xf32>
    %iota3A_192 = tpu.iota {dimensions = array<i32: 1>} : vector<128x1024xi32>
    %add3A_193 = arith.constant 4096 : i32
    %add3A_194 = vector.broadcast %add3A_193 : i32 to vector<128x1024xi32>
    %add3A_195 = arith.addi %iota3A_192, %add3A_194 : vector<128x1024xi32>
    %get3A_196 = arith.constant 0 : index
    %get3A_197 = arith.constant 0 : index
    %get3A_198 = arith.constant 5120 : index
    %get3A_199 = vector.load %arg2[%get3A_196, %get3A_197, %get3A_198] : memref<1x3x8192xf32, #tpu.memory_space<vmem>>, vector<1x1x1024xf32>
    %get3A_200 = vector.shape_cast %get3A_199 : vector<1x1x1024xf32> to vector<1x1024xf32>
    %get3A_201 = arith.constant 0 : index
    %get3A_202 = arith.constant 1 : index
    %get3A_203 = arith.constant 5120 : index
    %get3A_204 = vector.load %arg2[%get3A_201, %get3A_202, %get3A_203] : memref<1x3x8192xf32, #tpu.memory_space<vmem>>, vector<1x1x1024xf32>
    %get3A_205 = vector.shape_cast %get3A_204 : vector<1x1x1024xf32> to vector<1x1024xf32>
    %get3A_206 = arith.constant 0 : index
    %get3A_207 = arith.constant 2 : index
    %get3A_208 = arith.constant 5120 : index
    %get3A_209 = vector.load %arg2[%get3A_206, %get3A_207, %get3A_208] : memref<1x3x8192xf32, #tpu.memory_space<vmem>>, vector<1x1x1024xf32>
    %get3A_210 = vector.shape_cast %get3A_209 : vector<1x1x1024xf32> to vector<1x1024xf32>
    %sub3A_211 = vector.broadcast %get3A_4 : vector<128x1xf32> to vector<128x1024xf32>
    %sub3A_212 = vector.broadcast %get3A_200 : vector<1x1024xf32> to vector<128x1024xf32>
    %sub3A_213 = arith.subf %sub3A_211, %sub3A_212 : vector<128x1024xf32>
    %sub3A_214 = vector.broadcast %get3A_10 : vector<128x1xf32> to vector<128x1024xf32>
    %sub3A_215 = vector.broadcast %get3A_205 : vector<1x1024xf32> to vector<128x1024xf32>
    %sub3A_216 = arith.subf %sub3A_214, %sub3A_215 : vector<128x1024xf32>
    %sub3A_217 = vector.broadcast %get3A_16 : vector<128x1xf32> to vector<128x1024xf32>
    %sub3A_218 = vector.broadcast %get3A_210 : vector<1x1024xf32> to vector<128x1024xf32>
    %sub3A_219 = arith.subf %sub3A_217, %sub3A_218 : vector<128x1024xf32>
    %mul3A_220 = arith.mulf %sub3A_213, %sub3A_213 : vector<128x1024xf32>
    %mul3A_221 = arith.mulf %sub3A_216, %sub3A_216 : vector<128x1024xf32>
    %add3A_222 = arith.addf %mul3A_220, %mul3A_221 : vector<128x1024xf32>
    %mul3A_223 = arith.mulf %sub3A_219, %sub3A_219 : vector<128x1024xf32>
    %add3A_224 = arith.addf %add3A_222, %mul3A_223 : vector<128x1024xf32>
    %max3A_225 = arith.constant 0.000000e+00 : f32
    %max3A_226 = vector.broadcast %max3A_225 : f32 to vector<128x1024xf32>
    %max3A_227 = arith.maximumf %add3A_224, %max3A_226 : vector<128x1024xf32>
    %sqrt3A_228 = math.sqrt %max3A_227 : vector<128x1024xf32>
    %iota3A_229 = tpu.iota {dimensions = array<i32: 1>} : vector<128x1024xi32>
    %add3A_230 = arith.constant 5120 : i32
    %add3A_231 = vector.broadcast %add3A_230 : i32 to vector<128x1024xi32>
    %add3A_232 = arith.addi %iota3A_229, %add3A_231 : vector<128x1024xi32>
    %get3A_233 = arith.constant 0 : index
    %get3A_234 = arith.constant 0 : index
    %get3A_235 = arith.constant 6144 : index
    %get3A_236 = vector.load %arg2[%get3A_233, %get3A_234, %get3A_235] : memref<1x3x8192xf32, #tpu.memory_space<vmem>>, vector<1x1x1024xf32>
    %get3A_237 = vector.shape_cast %get3A_236 : vector<1x1x1024xf32> to vector<1x1024xf32>
    %get3A_238 = arith.constant 0 : index
    %get3A_239 = arith.constant 1 : index
    %get3A_240 = arith.constant 6144 : index
    %get3A_241 = vector.load %arg2[%get3A_238, %get3A_239, %get3A_240] : memref<1x3x8192xf32, #tpu.memory_space<vmem>>, vector<1x1x1024xf32>
    %get3A_242 = vector.shape_cast %get3A_241 : vector<1x1x1024xf32> to vector<1x1024xf32>
    %get3A_243 = arith.constant 0 : index
    %get3A_244 = arith.constant 2 : index
    %get3A_245 = arith.constant 6144 : index
    %get3A_246 = vector.load %arg2[%get3A_243, %get3A_244, %get3A_245] : memref<1x3x8192xf32, #tpu.memory_space<vmem>>, vector<1x1x1024xf32>
    %get3A_247 = vector.shape_cast %get3A_246 : vector<1x1x1024xf32> to vector<1x1024xf32>
    %sub3A_248 = vector.broadcast %get3A_4 : vector<128x1xf32> to vector<128x1024xf32>
    %sub3A_249 = vector.broadcast %get3A_237 : vector<1x1024xf32> to vector<128x1024xf32>
    %sub3A_250 = arith.subf %sub3A_248, %sub3A_249 : vector<128x1024xf32>
    %sub3A_251 = vector.broadcast %get3A_10 : vector<128x1xf32> to vector<128x1024xf32>
    %sub3A_252 = vector.broadcast %get3A_242 : vector<1x1024xf32> to vector<128x1024xf32>
    %sub3A_253 = arith.subf %sub3A_251, %sub3A_252 : vector<128x1024xf32>
    %sub3A_254 = vector.broadcast %get3A_16 : vector<128x1xf32> to vector<128x1024xf32>
    %sub3A_255 = vector.broadcast %get3A_247 : vector<1x1024xf32> to vector<128x1024xf32>
    %sub3A_256 = arith.subf %sub3A_254, %sub3A_255 : vector<128x1024xf32>
    %mul3A_257 = arith.mulf %sub3A_250, %sub3A_250 : vector<128x1024xf32>
    %mul3A_258 = arith.mulf %sub3A_253, %sub3A_253 : vector<128x1024xf32>
    %add3A_259 = arith.addf %mul3A_257, %mul3A_258 : vector<128x1024xf32>
    %mul3A_260 = arith.mulf %sub3A_256, %sub3A_256 : vector<128x1024xf32>
    %add3A_261 = arith.addf %add3A_259, %mul3A_260 : vector<128x1024xf32>
    %max3A_262 = arith.constant 0.000000e+00 : f32
    %max3A_263 = vector.broadcast %max3A_262 : f32 to vector<128x1024xf32>
    %max3A_264 = arith.maximumf %add3A_261, %max3A_263 : vector<128x1024xf32>
    %sqrt3A_265 = math.sqrt %max3A_264 : vector<128x1024xf32>
    %iota3A_266 = tpu.iota {dimensions = array<i32: 1>} : vector<128x1024xi32>
    %add3A_267 = arith.constant 6144 : i32
    %add3A_268 = vector.broadcast %add3A_267 : i32 to vector<128x1024xi32>
    %add3A_269 = arith.addi %iota3A_266, %add3A_268 : vector<128x1024xi32>
    %get3A_270 = arith.constant 0 : index
    %get3A_271 = arith.constant 0 : index
    %get3A_272 = arith.constant 7168 : index
    %get3A_273 = vector.load %arg2[%get3A_270, %get3A_271, %get3A_272] : memref<1x3x8192xf32, #tpu.memory_space<vmem>>, vector<1x1x1024xf32>
    %get3A_274 = vector.shape_cast %get3A_273 : vector<1x1x1024xf32> to vector<1x1024xf32>
    %get3A_275 = arith.constant 0 : index
    %get3A_276 = arith.constant 1 : index
    %get3A_277 = arith.constant 7168 : index
    %get3A_278 = vector.load %arg2[%get3A_275, %get3A_276, %get3A_277] : memref<1x3x8192xf32, #tpu.memory_space<vmem>>, vector<1x1x1024xf32>
    %get3A_279 = vector.shape_cast %get3A_278 : vector<1x1x1024xf32> to vector<1x1024xf32>
    %get3A_280 = arith.constant 0 : index
    %get3A_281 = arith.constant 2 : index
    %get3A_282 = arith.constant 7168 : index
    %get3A_283 = vector.load %arg2[%get3A_280, %get3A_281, %get3A_282] : memref<1x3x8192xf32, #tpu.memory_space<vmem>>, vector<1x1x1024xf32>
    %get3A_284 = vector.shape_cast %get3A_283 : vector<1x1x1024xf32> to vector<1x1024xf32>
    %sub3A_285 = vector.broadcast %get3A_4 : vector<128x1xf32> to vector<128x1024xf32>
    %sub3A_286 = vector.broadcast %get3A_274 : vector<1x1024xf32> to vector<128x1024xf32>
    %sub3A_287 = arith.subf %sub3A_285, %sub3A_286 : vector<128x1024xf32>
    %sub3A_288 = vector.broadcast %get3A_10 : vector<128x1xf32> to vector<128x1024xf32>
    %sub3A_289 = vector.broadcast %get3A_279 : vector<1x1024xf32> to vector<128x1024xf32>
    %sub3A_290 = arith.subf %sub3A_288, %sub3A_289 : vector<128x1024xf32>
    %sub3A_291 = vector.broadcast %get3A_16 : vector<128x1xf32> to vector<128x1024xf32>
    %sub3A_292 = vector.broadcast %get3A_284 : vector<1x1024xf32> to vector<128x1024xf32>
    %sub3A_293 = arith.subf %sub3A_291, %sub3A_292 : vector<128x1024xf32>
    %mul3A_294 = arith.mulf %sub3A_287, %sub3A_287 : vector<128x1024xf32>
    %mul3A_295 = arith.mulf %sub3A_290, %sub3A_290 : vector<128x1024xf32>
    %add3A_296 = arith.addf %mul3A_294, %mul3A_295 : vector<128x1024xf32>
    %mul3A_297 = arith.mulf %sub3A_293, %sub3A_293 : vector<128x1024xf32>
    %add3A_298 = arith.addf %add3A_296, %mul3A_297 : vector<128x1024xf32>
    %max3A_299 = arith.constant 0.000000e+00 : f32
    %max3A_300 = vector.broadcast %max3A_299 : f32 to vector<128x1024xf32>
    %max3A_301 = arith.maximumf %add3A_298, %max3A_300 : vector<128x1024xf32>
    %sqrt3A_302 = math.sqrt %max3A_301 : vector<128x1024xf32>
    %iota3A_303 = tpu.iota {dimensions = array<i32: 1>} : vector<128x1024xi32>
    %add3A_304 = arith.constant 7168 : i32
    %add3A_305 = vector.broadcast %add3A_304 : i32 to vector<128x1024xi32>
    %add3A_306 = arith.addi %iota3A_303, %add3A_305 : vector<128x1024xi32>
    %lt3A = arith.cmpf olt, %sqrt3A_80, %sqrt3A : vector<128x1024xf32>
    %eq3A = arith.cmpf oeq, %sqrt3A_80, %sqrt3A : vector<128x1024xf32>
    %lt3A_307 = arith.cmpi slt, %add3A_84, %add3A_47 : vector<128x1024xi32>
    %and3A = arith.andi %eq3A, %lt3A_307 : vector<128x1024xi1>
    %or3A = arith.ori %lt3A, %and3A : vector<128x1024xi1>
    %select_n3A = arith.select %or3A, %sqrt3A_80, %sqrt3A : vector<128x1024xi1>, vector<128x1024xf32>
    %select_n3A_308 = arith.select %or3A, %add3A_84, %add3A_47 : vector<128x1024xi1>, vector<128x1024xi32>
    %select_n3A_309 = arith.select %or3A, %sqrt3A, %sqrt3A_80 : vector<128x1024xi1>, vector<128x1024xf32>
    %select_n3A_310 = arith.select %or3A, %add3A_47, %add3A_84 : vector<128x1024xi1>, vector<128x1024xi32>
    %lt3A_311 = arith.cmpf olt, %sqrt3A_154, %sqrt3A_117 : vector<128x1024xf32>
    %eq3A_312 = arith.cmpf oeq, %sqrt3A_154, %sqrt3A_117 : vector<128x1024xf32>
    %lt3A_313 = arith.cmpi slt, %add3A_158, %add3A_121 : vector<128x1024xi32>
    %and3A_314 = arith.andi %eq3A_312, %lt3A_313 : vector<128x1024xi1>
    %or3A_315 = arith.ori %lt3A_311, %and3A_314 : vector<128x1024xi1>
    %select_n3A_316 = arith.select %or3A_315, %sqrt3A_154, %sqrt3A_117 : vector<128x1024xi1>, vector<128x1024xf32>
    %select_n3A_317 = arith.select %or3A_315, %add3A_158, %add3A_121 : vector<128x1024xi1>, vector<128x1024xi32>
    %select_n3A_318 = arith.select %or3A_315, %sqrt3A_117, %sqrt3A_154 : vector<128x1024xi1>, vector<128x1024xf32>
    %select_n3A_319 = arith.select %or3A_315, %add3A_121, %add3A_158 : vector<128x1024xi1>, vector<128x1024xi32>
    %lt3A_320 = arith.cmpf olt, %sqrt3A_228, %sqrt3A_191 : vector<128x1024xf32>
    %eq3A_321 = arith.cmpf oeq, %sqrt3A_228, %sqrt3A_191 : vector<128x1024xf32>
    %lt3A_322 = arith.cmpi slt, %add3A_232, %add3A_195 : vector<128x1024xi32>
    %and3A_323 = arith.andi %eq3A_321, %lt3A_322 : vector<128x1024xi1>
    %or3A_324 = arith.ori %lt3A_320, %and3A_323 : vector<128x1024xi1>
    %select_n3A_325 = arith.select %or3A_324, %sqrt3A_228, %sqrt3A_191 : vector<128x1024xi1>, vector<128x1024xf32>
    %select_n3A_326 = arith.select %or3A_324, %add3A_232, %add3A_195 : vector<128x1024xi1>, vector<128x1024xi32>
    %select_n3A_327 = arith.select %or3A_324, %sqrt3A_191, %sqrt3A_228 : vector<128x1024xi1>, vector<128x1024xf32>
    %select_n3A_328 = arith.select %or3A_324, %add3A_195, %add3A_232 : vector<128x1024xi1>, vector<128x1024xi32>
    %lt3A_329 = arith.cmpf olt, %sqrt3A_302, %sqrt3A_265 : vector<128x1024xf32>
    %eq3A_330 = arith.cmpf oeq, %sqrt3A_302, %sqrt3A_265 : vector<128x1024xf32>
    %lt3A_331 = arith.cmpi slt, %add3A_306, %add3A_269 : vector<128x1024xi32>
    %and3A_332 = arith.andi %eq3A_330, %lt3A_331 : vector<128x1024xi1>
    %or3A_333 = arith.ori %lt3A_329, %and3A_332 : vector<128x1024xi1>
    %select_n3A_334 = arith.select %or3A_333, %sqrt3A_302, %sqrt3A_265 : vector<128x1024xi1>, vector<128x1024xf32>
    %select_n3A_335 = arith.select %or3A_333, %add3A_306, %add3A_269 : vector<128x1024xi1>, vector<128x1024xi32>
    %select_n3A_336 = arith.select %or3A_333, %sqrt3A_265, %sqrt3A_302 : vector<128x1024xi1>, vector<128x1024xf32>
    %select_n3A_337 = arith.select %or3A_333, %add3A_269, %add3A_306 : vector<128x1024xi1>, vector<128x1024xi32>
    %lt3A_338 = arith.cmpf olt, %select_n3A_316, %select_n3A : vector<128x1024xf32>
    %eq3A_339 = arith.cmpf oeq, %select_n3A_316, %select_n3A : vector<128x1024xf32>
    %lt3A_340 = arith.cmpi slt, %select_n3A_317, %select_n3A_308 : vector<128x1024xi32>
    %and3A_341 = arith.andi %eq3A_339, %lt3A_340 : vector<128x1024xi1>
    %or3A_342 = arith.ori %lt3A_338, %and3A_341 : vector<128x1024xi1>
    %select_n3A_343 = arith.select %or3A_342, %select_n3A_316, %select_n3A : vector<128x1024xi1>, vector<128x1024xf32>
    %select_n3A_344 = arith.select %or3A_342, %select_n3A_317, %select_n3A_308 : vector<128x1024xi1>, vector<128x1024xi32>
    %select_n3A_345 = arith.select %or3A_342, %select_n3A, %select_n3A_316 : vector<128x1024xi1>, vector<128x1024xf32>
    %select_n3A_346 = arith.select %or3A_342, %select_n3A_308, %select_n3A_317 : vector<128x1024xi1>, vector<128x1024xi32>
    %lt3A_347 = arith.cmpf olt, %select_n3A_318, %select_n3A_309 : vector<128x1024xf32>
    %eq3A_348 = arith.cmpf oeq, %select_n3A_318, %select_n3A_309 : vector<128x1024xf32>
    %lt3A_349 = arith.cmpi slt, %select_n3A_319, %select_n3A_310 : vector<128x1024xi32>
    %and3A_350 = arith.andi %eq3A_348, %lt3A_349 : vector<128x1024xi1>
    %or3A_351 = arith.ori %lt3A_347, %and3A_350 : vector<128x1024xi1>
    %select_n3A_352 = arith.select %or3A_351, %select_n3A_318, %select_n3A_309 : vector<128x1024xi1>, vector<128x1024xf32>
    %select_n3A_353 = arith.select %or3A_351, %select_n3A_319, %select_n3A_310 : vector<128x1024xi1>, vector<128x1024xi32>
    %select_n3A_354 = arith.select %or3A_351, %select_n3A_309, %select_n3A_318 : vector<128x1024xi1>, vector<128x1024xf32>
    %select_n3A_355 = arith.select %or3A_351, %select_n3A_310, %select_n3A_319 : vector<128x1024xi1>, vector<128x1024xi32>
    %lt3A_356 = arith.cmpf olt, %select_n3A_334, %select_n3A_325 : vector<128x1024xf32>
    %eq3A_357 = arith.cmpf oeq, %select_n3A_334, %select_n3A_325 : vector<128x1024xf32>
    %lt3A_358 = arith.cmpi slt, %select_n3A_335, %select_n3A_326 : vector<128x1024xi32>
    %and3A_359 = arith.andi %eq3A_357, %lt3A_358 : vector<128x1024xi1>
    %or3A_360 = arith.ori %lt3A_356, %and3A_359 : vector<128x1024xi1>
    %select_n3A_361 = arith.select %or3A_360, %select_n3A_334, %select_n3A_325 : vector<128x1024xi1>, vector<128x1024xf32>
    %select_n3A_362 = arith.select %or3A_360, %select_n3A_335, %select_n3A_326 : vector<128x1024xi1>, vector<128x1024xi32>
    %select_n3A_363 = arith.select %or3A_360, %select_n3A_325, %select_n3A_334 : vector<128x1024xi1>, vector<128x1024xf32>
    %select_n3A_364 = arith.select %or3A_360, %select_n3A_326, %select_n3A_335 : vector<128x1024xi1>, vector<128x1024xi32>
    %lt3A_365 = arith.cmpf olt, %select_n3A_336, %select_n3A_327 : vector<128x1024xf32>
    %eq3A_366 = arith.cmpf oeq, %select_n3A_336, %select_n3A_327 : vector<128x1024xf32>
    %lt3A_367 = arith.cmpi slt, %select_n3A_337, %select_n3A_328 : vector<128x1024xi32>
    %and3A_368 = arith.andi %eq3A_366, %lt3A_367 : vector<128x1024xi1>
    %or3A_369 = arith.ori %lt3A_365, %and3A_368 : vector<128x1024xi1>
    %select_n3A_370 = arith.select %or3A_369, %select_n3A_336, %select_n3A_327 : vector<128x1024xi1>, vector<128x1024xf32>
    %select_n3A_371 = arith.select %or3A_369, %select_n3A_337, %select_n3A_328 : vector<128x1024xi1>, vector<128x1024xi32>
    %select_n3A_372 = arith.select %or3A_369, %select_n3A_327, %select_n3A_336 : vector<128x1024xi1>, vector<128x1024xf32>
    %select_n3A_373 = arith.select %or3A_369, %select_n3A_328, %select_n3A_337 : vector<128x1024xi1>, vector<128x1024xi32>
    %lt3A_374 = arith.cmpf olt, %select_n3A_345, %select_n3A_352 : vector<128x1024xf32>
    %eq3A_375 = arith.cmpf oeq, %select_n3A_345, %select_n3A_352 : vector<128x1024xf32>
    %lt3A_376 = arith.cmpi slt, %select_n3A_346, %select_n3A_353 : vector<128x1024xi32>
    %and3A_377 = arith.andi %eq3A_375, %lt3A_376 : vector<128x1024xi1>
    %or3A_378 = arith.ori %lt3A_374, %and3A_377 : vector<128x1024xi1>
    %select_n3A_379 = arith.select %or3A_378, %select_n3A_345, %select_n3A_352 : vector<128x1024xi1>, vector<128x1024xf32>
    %select_n3A_380 = arith.select %or3A_378, %select_n3A_346, %select_n3A_353 : vector<128x1024xi1>, vector<128x1024xi32>
    %select_n3A_381 = arith.select %or3A_378, %select_n3A_352, %select_n3A_345 : vector<128x1024xi1>, vector<128x1024xf32>
    %select_n3A_382 = arith.select %or3A_378, %select_n3A_353, %select_n3A_346 : vector<128x1024xi1>, vector<128x1024xi32>
    %lt3A_383 = arith.cmpf olt, %select_n3A_363, %select_n3A_370 : vector<128x1024xf32>
    %eq3A_384 = arith.cmpf oeq, %select_n3A_363, %select_n3A_370 : vector<128x1024xf32>
    %lt3A_385 = arith.cmpi slt, %select_n3A_364, %select_n3A_371 : vector<128x1024xi32>
    %and3A_386 = arith.andi %eq3A_384, %lt3A_385 : vector<128x1024xi1>
    %or3A_387 = arith.ori %lt3A_383, %and3A_386 : vector<128x1024xi1>
    %select_n3A_388 = arith.select %or3A_387, %select_n3A_363, %select_n3A_370 : vector<128x1024xi1>, vector<128x1024xf32>
    %select_n3A_389 = arith.select %or3A_387, %select_n3A_364, %select_n3A_371 : vector<128x1024xi1>, vector<128x1024xi32>
    %select_n3A_390 = arith.select %or3A_387, %select_n3A_370, %select_n3A_363 : vector<128x1024xi1>, vector<128x1024xf32>
    %select_n3A_391 = arith.select %or3A_387, %select_n3A_371, %select_n3A_364 : vector<128x1024xi1>, vector<128x1024xi32>
    %lt3A_392 = arith.cmpf olt, %select_n3A_361, %select_n3A_343 : vector<128x1024xf32>
    %eq3A_393 = arith.cmpf oeq, %select_n3A_361, %select_n3A_343 : vector<128x1024xf32>
    %lt3A_394 = arith.cmpi slt, %select_n3A_362, %select_n3A_344 : vector<128x1024xi32>
    %and3A_395 = arith.andi %eq3A_393, %lt3A_394 : vector<128x1024xi1>
    %or3A_396 = arith.ori %lt3A_392, %and3A_395 : vector<128x1024xi1>
    %select_n3A_397 = arith.select %or3A_396, %select_n3A_361, %select_n3A_343 : vector<128x1024xi1>, vector<128x1024xf32>
    %select_n3A_398 = arith.select %or3A_396, %select_n3A_362, %select_n3A_344 : vector<128x1024xi1>, vector<128x1024xi32>
    %select_n3A_399 = arith.select %or3A_396, %select_n3A_343, %select_n3A_361 : vector<128x1024xi1>, vector<128x1024xf32>
    %select_n3A_400 = arith.select %or3A_396, %select_n3A_344, %select_n3A_362 : vector<128x1024xi1>, vector<128x1024xi32>
    %lt3A_401 = arith.cmpf olt, %select_n3A_388, %select_n3A_379 : vector<128x1024xf32>
    %eq3A_402 = arith.cmpf oeq, %select_n3A_388, %select_n3A_379 : vector<128x1024xf32>
    %lt3A_403 = arith.cmpi slt, %select_n3A_389, %select_n3A_380 : vector<128x1024xi32>
    %and3A_404 = arith.andi %eq3A_402, %lt3A_403 : vector<128x1024xi1>
    %or3A_405 = arith.ori %lt3A_401, %and3A_404 : vector<128x1024xi1>
    %select_n3A_406 = arith.select %or3A_405, %select_n3A_388, %select_n3A_379 : vector<128x1024xi1>, vector<128x1024xf32>
    %select_n3A_407 = arith.select %or3A_405, %select_n3A_389, %select_n3A_380 : vector<128x1024xi1>, vector<128x1024xi32>
    %select_n3A_408 = arith.select %or3A_405, %select_n3A_379, %select_n3A_388 : vector<128x1024xi1>, vector<128x1024xf32>
    %select_n3A_409 = arith.select %or3A_405, %select_n3A_380, %select_n3A_389 : vector<128x1024xi1>, vector<128x1024xi32>
    %lt3A_410 = arith.cmpf olt, %select_n3A_390, %select_n3A_381 : vector<128x1024xf32>
    %eq3A_411 = arith.cmpf oeq, %select_n3A_390, %select_n3A_381 : vector<128x1024xf32>
    %lt3A_412 = arith.cmpi slt, %select_n3A_391, %select_n3A_382 : vector<128x1024xi32>
    %and3A_413 = arith.andi %eq3A_411, %lt3A_412 : vector<128x1024xi1>
    %or3A_414 = arith.ori %lt3A_410, %and3A_413 : vector<128x1024xi1>
    %select_n3A_415 = arith.select %or3A_414, %select_n3A_390, %select_n3A_381 : vector<128x1024xi1>, vector<128x1024xf32>
    %select_n3A_416 = arith.select %or3A_414, %select_n3A_391, %select_n3A_382 : vector<128x1024xi1>, vector<128x1024xi32>
    %select_n3A_417 = arith.select %or3A_414, %select_n3A_381, %select_n3A_390 : vector<128x1024xi1>, vector<128x1024xf32>
    %select_n3A_418 = arith.select %or3A_414, %select_n3A_382, %select_n3A_391 : vector<128x1024xi1>, vector<128x1024xi32>
    %lt3A_419 = arith.cmpf olt, %select_n3A_372, %select_n3A_354 : vector<128x1024xf32>
    %eq3A_420 = arith.cmpf oeq, %select_n3A_372, %select_n3A_354 : vector<128x1024xf32>
    %lt3A_421 = arith.cmpi slt, %select_n3A_373, %select_n3A_355 : vector<128x1024xi32>
    %and3A_422 = arith.andi %eq3A_420, %lt3A_421 : vector<128x1024xi1>
    %or3A_423 = arith.ori %lt3A_419, %and3A_422 : vector<128x1024xi1>
    %select_n3A_424 = arith.select %or3A_423, %select_n3A_372, %select_n3A_354 : vector<128x1024xi1>, vector<128x1024xf32>
    %select_n3A_425 = arith.select %or3A_423, %select_n3A_373, %select_n3A_355 : vector<128x1024xi1>, vector<128x1024xi32>
    %select_n3A_426 = arith.select %or3A_423, %select_n3A_354, %select_n3A_372 : vector<128x1024xi1>, vector<128x1024xf32>
    %select_n3A_427 = arith.select %or3A_423, %select_n3A_355, %select_n3A_373 : vector<128x1024xi1>, vector<128x1024xi32>
    %lt3A_428 = arith.cmpf olt, %select_n3A_399, %select_n3A_415 : vector<128x1024xf32>
    %eq3A_429 = arith.cmpf oeq, %select_n3A_399, %select_n3A_415 : vector<128x1024xf32>
    %lt3A_430 = arith.cmpi slt, %select_n3A_400, %select_n3A_416 : vector<128x1024xi32>
    %and3A_431 = arith.andi %eq3A_429, %lt3A_430 : vector<128x1024xi1>
    %or3A_432 = arith.ori %lt3A_428, %and3A_431 : vector<128x1024xi1>
    %select_n3A_433 = arith.select %or3A_432, %select_n3A_399, %select_n3A_415 : vector<128x1024xi1>, vector<128x1024xf32>
    %select_n3A_434 = arith.select %or3A_432, %select_n3A_400, %select_n3A_416 : vector<128x1024xi1>, vector<128x1024xi32>
    %select_n3A_435 = arith.select %or3A_432, %select_n3A_415, %select_n3A_399 : vector<128x1024xi1>, vector<128x1024xf32>
    %select_n3A_436 = arith.select %or3A_432, %select_n3A_416, %select_n3A_400 : vector<128x1024xi1>, vector<128x1024xi32>
    %lt3A_437 = arith.cmpf olt, %select_n3A_408, %select_n3A_424 : vector<128x1024xf32>
    %eq3A_438 = arith.cmpf oeq, %select_n3A_408, %select_n3A_424 : vector<128x1024xf32>
    %lt3A_439 = arith.cmpi slt, %select_n3A_409, %select_n3A_425 : vector<128x1024xi32>
    %and3A_440 = arith.andi %eq3A_438, %lt3A_439 : vector<128x1024xi1>
    %or3A_441 = arith.ori %lt3A_437, %and3A_440 : vector<128x1024xi1>
    %select_n3A_442 = arith.select %or3A_441, %select_n3A_408, %select_n3A_424 : vector<128x1024xi1>, vector<128x1024xf32>
    %select_n3A_443 = arith.select %or3A_441, %select_n3A_409, %select_n3A_425 : vector<128x1024xi1>, vector<128x1024xi32>
    %select_n3A_444 = arith.select %or3A_441, %select_n3A_424, %select_n3A_408 : vector<128x1024xi1>, vector<128x1024xf32>
    %select_n3A_445 = arith.select %or3A_441, %select_n3A_425, %select_n3A_409 : vector<128x1024xi1>, vector<128x1024xi32>
    %lt3A_446 = arith.cmpf olt, %select_n3A_433, %select_n3A_406 : vector<128x1024xf32>
    %eq3A_447 = arith.cmpf oeq, %select_n3A_433, %select_n3A_406 : vector<128x1024xf32>
    %lt3A_448 = arith.cmpi slt, %select_n3A_434, %select_n3A_407 : vector<128x1024xi32>
    %and3A_449 = arith.andi %eq3A_447, %lt3A_448 : vector<128x1024xi1>
    %or3A_450 = arith.ori %lt3A_446, %and3A_449 : vector<128x1024xi1>
    %select_n3A_451 = arith.select %or3A_450, %select_n3A_433, %select_n3A_406 : vector<128x1024xi1>, vector<128x1024xf32>
    %select_n3A_452 = arith.select %or3A_450, %select_n3A_434, %select_n3A_407 : vector<128x1024xi1>, vector<128x1024xi32>
    %select_n3A_453 = arith.select %or3A_450, %select_n3A_406, %select_n3A_433 : vector<128x1024xi1>, vector<128x1024xf32>
    %select_n3A_454 = arith.select %or3A_450, %select_n3A_407, %select_n3A_434 : vector<128x1024xi1>, vector<128x1024xi32>
    %lt3A_455 = arith.cmpf olt, %select_n3A_435, %select_n3A_442 : vector<128x1024xf32>
    %eq3A_456 = arith.cmpf oeq, %select_n3A_435, %select_n3A_442 : vector<128x1024xf32>
    %lt3A_457 = arith.cmpi slt, %select_n3A_436, %select_n3A_443 : vector<128x1024xi32>
    %and3A_458 = arith.andi %eq3A_456, %lt3A_457 : vector<128x1024xi1>
    %or3A_459 = arith.ori %lt3A_455, %and3A_458 : vector<128x1024xi1>
    %select_n3A_460 = arith.select %or3A_459, %select_n3A_435, %select_n3A_442 : vector<128x1024xi1>, vector<128x1024xf32>
    %select_n3A_461 = arith.select %or3A_459, %select_n3A_436, %select_n3A_443 : vector<128x1024xi1>, vector<128x1024xi32>
    %select_n3A_462 = arith.select %or3A_459, %select_n3A_442, %select_n3A_435 : vector<128x1024xi1>, vector<128x1024xf32>
    %select_n3A_463 = arith.select %or3A_459, %select_n3A_443, %select_n3A_436 : vector<128x1024xi1>, vector<128x1024xi32>
    %lt3A_464 = arith.cmpf olt, %select_n3A_417, %select_n3A_444 : vector<128x1024xf32>
    %eq3A_465 = arith.cmpf oeq, %select_n3A_417, %select_n3A_444 : vector<128x1024xf32>
    %lt3A_466 = arith.cmpi slt, %select_n3A_418, %select_n3A_445 : vector<128x1024xi32>
    %and3A_467 = arith.andi %eq3A_465, %lt3A_466 : vector<128x1024xi1>
    %or3A_468 = arith.ori %lt3A_464, %and3A_467 : vector<128x1024xi1>
    %select_n3A_469 = arith.select %or3A_468, %select_n3A_417, %select_n3A_444 : vector<128x1024xi1>, vector<128x1024xf32>
    %select_n3A_470 = arith.select %or3A_468, %select_n3A_418, %select_n3A_445 : vector<128x1024xi1>, vector<128x1024xi32>
    %select_n3A_471 = arith.select %or3A_468, %select_n3A_444, %select_n3A_417 : vector<128x1024xi1>, vector<128x1024xf32>
    %select_n3A_472 = arith.select %or3A_468, %select_n3A_445, %select_n3A_418 : vector<128x1024xi1>, vector<128x1024xi32>
    %reduce_min3A = arith.constant dense<0x7F800000> : vector<128xf32>
    %reduce_min3A_473 = vector.multi_reduction <minimumf>, %select_n3A_397, %reduce_min3A [1] : vector<128x1024xf32> to vector<128xf32>
    %broadcast_in_dim3A = vector.shape_cast %reduce_min3A_473 : vector<128xf32> to vector<128x1xf32>
    %eq3A_474 = vector.broadcast %broadcast_in_dim3A : vector<128x1xf32> to vector<128x1024xf32>
    %eq3A_475 = arith.cmpf oeq, %select_n3A_397, %eq3A_474 : vector<128x1024xf32>
    %jit3A = arith.constant 8192 : i32
    %broadcast_in_dim3A_476 = vector.broadcast %jit3A : i32 to vector<128x1024xi32>
    %select_n3A_477 = arith.select %eq3A_475, %select_n3A_398, %broadcast_in_dim3A_476 : vector<128x1024xi1>, vector<128x1024xi32>
    %reduce_min3A_478 = arith.constant dense<2147483647> : vector<128xi32>
    %reduce_min3A_479 = vector.multi_reduction <minsi>, %select_n3A_477, %reduce_min3A_478 [1] : vector<128x1024xi32> to vector<128xi32>
    %broadcast_in_dim3A_480 = vector.shape_cast %reduce_min3A_479 : vector<128xi32> to vector<128x1xi32>
    %eq3A_481 = vector.broadcast %broadcast_in_dim3A_480 : vector<128x1xi32> to vector<128x1024xi32>
    %eq3A_482 = arith.cmpi eq, %select_n3A_398, %eq3A_481 : vector<128x1024xi32>
    %select_n3A_483 = arith.select %eq3A_482, %select_n3A_451, %select_n3A_397 : vector<128x1024xi1>, vector<128x1024xf32>
    %select_n3A_484 = arith.select %eq3A_482, %select_n3A_452, %select_n3A_398 : vector<128x1024xi1>, vector<128x1024xi32>
    %select_n3A_485 = arith.select %eq3A_482, %select_n3A_453, %select_n3A_451 : vector<128x1024xi1>, vector<128x1024xf32>
    %select_n3A_486 = arith.select %eq3A_482, %select_n3A_454, %select_n3A_452 : vector<128x1024xi1>, vector<128x1024xi32>
    %select_n3A_487 = arith.select %eq3A_482, %select_n3A_460, %select_n3A_453 : vector<128x1024xi1>, vector<128x1024xf32>
    %select_n3A_488 = arith.select %eq3A_482, %select_n3A_461, %select_n3A_454 : vector<128x1024xi1>, vector<128x1024xi32>
    %select_n3A_489 = arith.select %eq3A_482, %select_n3A_462, %select_n3A_460 : vector<128x1024xi1>, vector<128x1024xf32>
    %select_n3A_490 = arith.select %eq3A_482, %select_n3A_463, %select_n3A_461 : vector<128x1024xi1>, vector<128x1024xi32>
    %select_n3A_491 = arith.select %eq3A_482, %select_n3A_469, %select_n3A_462 : vector<128x1024xi1>, vector<128x1024xf32>
    %select_n3A_492 = arith.select %eq3A_482, %select_n3A_470, %select_n3A_463 : vector<128x1024xi1>, vector<128x1024xi32>
    %select_n3A_493 = arith.select %eq3A_482, %select_n3A_471, %select_n3A_469 : vector<128x1024xi1>, vector<128x1024xf32>
    %select_n3A_494 = arith.select %eq3A_482, %select_n3A_472, %select_n3A_470 : vector<128x1024xi1>, vector<128x1024xi32>
    %select_n3A_495 = arith.select %eq3A_482, %select_n3A_426, %select_n3A_471 : vector<128x1024xi1>, vector<128x1024xf32>
    %select_n3A_496 = arith.select %eq3A_482, %select_n3A_427, %select_n3A_472 : vector<128x1024xi1>, vector<128x1024xi32>
    %jit3A_497 = arith.constant 0x7F800000 : f32
    %broadcast_in_dim3A_498 = vector.broadcast %jit3A_497 : f32 to vector<128x1024xf32>
    %select_n3A_499 = arith.select %eq3A_482, %broadcast_in_dim3A_498, %select_n3A_426 : vector<128x1024xi1>, vector<128x1024xf32>
    %reduce_min3A_500 = arith.constant dense<0x7F800000> : vector<128xf32>
    %reduce_min3A_501 = vector.multi_reduction <minimumf>, %select_n3A_483, %reduce_min3A_500 [1] : vector<128x1024xf32> to vector<128xf32>
    %broadcast_in_dim3A_502 = vector.shape_cast %reduce_min3A_501 : vector<128xf32> to vector<128x1xf32>
    %eq3A_503 = vector.broadcast %broadcast_in_dim3A_502 : vector<128x1xf32> to vector<128x1024xf32>
    %eq3A_504 = arith.cmpf oeq, %select_n3A_483, %eq3A_503 : vector<128x1024xf32>
    %jit3A_505 = arith.constant 8192 : i32
    %broadcast_in_dim3A_506 = vector.broadcast %jit3A_505 : i32 to vector<128x1024xi32>
    %select_n3A_507 = arith.select %eq3A_504, %select_n3A_484, %broadcast_in_dim3A_506 : vector<128x1024xi1>, vector<128x1024xi32>
    %reduce_min3A_508 = arith.constant dense<2147483647> : vector<128xi32>
    %reduce_min3A_509 = vector.multi_reduction <minsi>, %select_n3A_507, %reduce_min3A_508 [1] : vector<128x1024xi32> to vector<128xi32>
    %broadcast_in_dim3A_510 = vector.shape_cast %reduce_min3A_509 : vector<128xi32> to vector<128x1xi32>
    %eq3A_511 = vector.broadcast %broadcast_in_dim3A_510 : vector<128x1xi32> to vector<128x1024xi32>
    %eq3A_512 = arith.cmpi eq, %select_n3A_484, %eq3A_511 : vector<128x1024xi32>
    %select_n3A_513 = arith.select %eq3A_512, %select_n3A_485, %select_n3A_483 : vector<128x1024xi1>, vector<128x1024xf32>
    %select_n3A_514 = arith.select %eq3A_512, %select_n3A_486, %select_n3A_484 : vector<128x1024xi1>, vector<128x1024xi32>
    %select_n3A_515 = arith.select %eq3A_512, %select_n3A_487, %select_n3A_485 : vector<128x1024xi1>, vector<128x1024xf32>
    %select_n3A_516 = arith.select %eq3A_512, %select_n3A_488, %select_n3A_486 : vector<128x1024xi1>, vector<128x1024xi32>
    %select_n3A_517 = arith.select %eq3A_512, %select_n3A_489, %select_n3A_487 : vector<128x1024xi1>, vector<128x1024xf32>
    %select_n3A_518 = arith.select %eq3A_512, %select_n3A_490, %select_n3A_488 : vector<128x1024xi1>, vector<128x1024xi32>
    %select_n3A_519 = arith.select %eq3A_512, %select_n3A_491, %select_n3A_489 : vector<128x1024xi1>, vector<128x1024xf32>
    %select_n3A_520 = arith.select %eq3A_512, %select_n3A_492, %select_n3A_490 : vector<128x1024xi1>, vector<128x1024xi32>
    %select_n3A_521 = arith.select %eq3A_512, %select_n3A_493, %select_n3A_491 : vector<128x1024xi1>, vector<128x1024xf32>
    %select_n3A_522 = arith.select %eq3A_512, %select_n3A_494, %select_n3A_492 : vector<128x1024xi1>, vector<128x1024xi32>
    %select_n3A_523 = arith.select %eq3A_512, %select_n3A_495, %select_n3A_493 : vector<128x1024xi1>, vector<128x1024xf32>
    %select_n3A_524 = arith.select %eq3A_512, %select_n3A_496, %select_n3A_494 : vector<128x1024xi1>, vector<128x1024xi32>
    %select_n3A_525 = arith.select %eq3A_512, %select_n3A_499, %select_n3A_495 : vector<128x1024xi1>, vector<128x1024xf32>
    %select_n3A_526 = arith.select %eq3A_512, %select_n3A_427, %select_n3A_496 : vector<128x1024xi1>, vector<128x1024xi32>
    %jit3A_527 = arith.constant 0x7F800000 : f32
    %broadcast_in_dim3A_528 = vector.broadcast %jit3A_527 : f32 to vector<128x1024xf32>
    %select_n3A_529 = arith.select %eq3A_512, %broadcast_in_dim3A_528, %select_n3A_499 : vector<128x1024xi1>, vector<128x1024xf32>
    %reduce_min3A_530 = arith.constant dense<0x7F800000> : vector<128xf32>
    %reduce_min3A_531 = vector.multi_reduction <minimumf>, %select_n3A_513, %reduce_min3A_530 [1] : vector<128x1024xf32> to vector<128xf32>
    %broadcast_in_dim3A_532 = vector.shape_cast %reduce_min3A_531 : vector<128xf32> to vector<128x1xf32>
    %eq3A_533 = vector.broadcast %broadcast_in_dim3A_532 : vector<128x1xf32> to vector<128x1024xf32>
    %eq3A_534 = arith.cmpf oeq, %select_n3A_513, %eq3A_533 : vector<128x1024xf32>
    %jit3A_535 = arith.constant 8192 : i32
    %broadcast_in_dim3A_536 = vector.broadcast %jit3A_535 : i32 to vector<128x1024xi32>
    %select_n3A_537 = arith.select %eq3A_534, %select_n3A_514, %broadcast_in_dim3A_536 : vector<128x1024xi1>, vector<128x1024xi32>
    %reduce_min3A_538 = arith.constant dense<2147483647> : vector<128xi32>
    %reduce_min3A_539 = vector.multi_reduction <minsi>, %select_n3A_537, %reduce_min3A_538 [1] : vector<128x1024xi32> to vector<128xi32>
    %broadcast_in_dim3A_540 = vector.shape_cast %reduce_min3A_539 : vector<128xi32> to vector<128x1xi32>
    %eq3A_541 = vector.broadcast %broadcast_in_dim3A_540 : vector<128x1xi32> to vector<128x1024xi32>
    %eq3A_542 = arith.cmpi eq, %select_n3A_514, %eq3A_541 : vector<128x1024xi32>
    %select_n3A_543 = arith.select %eq3A_542, %select_n3A_515, %select_n3A_513 : vector<128x1024xi1>, vector<128x1024xf32>
    %select_n3A_544 = arith.select %eq3A_542, %select_n3A_516, %select_n3A_514 : vector<128x1024xi1>, vector<128x1024xi32>
    %select_n3A_545 = arith.select %eq3A_542, %select_n3A_517, %select_n3A_515 : vector<128x1024xi1>, vector<128x1024xf32>
    %select_n3A_546 = arith.select %eq3A_542, %select_n3A_518, %select_n3A_516 : vector<128x1024xi1>, vector<128x1024xi32>
    %select_n3A_547 = arith.select %eq3A_542, %select_n3A_519, %select_n3A_517 : vector<128x1024xi1>, vector<128x1024xf32>
    %select_n3A_548 = arith.select %eq3A_542, %select_n3A_520, %select_n3A_518 : vector<128x1024xi1>, vector<128x1024xi32>
    %select_n3A_549 = arith.select %eq3A_542, %select_n3A_521, %select_n3A_519 : vector<128x1024xi1>, vector<128x1024xf32>
    %select_n3A_550 = arith.select %eq3A_542, %select_n3A_522, %select_n3A_520 : vector<128x1024xi1>, vector<128x1024xi32>
    %select_n3A_551 = arith.select %eq3A_542, %select_n3A_523, %select_n3A_521 : vector<128x1024xi1>, vector<128x1024xf32>
    %select_n3A_552 = arith.select %eq3A_542, %select_n3A_524, %select_n3A_522 : vector<128x1024xi1>, vector<128x1024xi32>
    %select_n3A_553 = arith.select %eq3A_542, %select_n3A_525, %select_n3A_523 : vector<128x1024xi1>, vector<128x1024xf32>
    %select_n3A_554 = arith.select %eq3A_542, %select_n3A_526, %select_n3A_524 : vector<128x1024xi1>, vector<128x1024xi32>
    %select_n3A_555 = arith.select %eq3A_542, %select_n3A_529, %select_n3A_525 : vector<128x1024xi1>, vector<128x1024xf32>
    %select_n3A_556 = arith.select %eq3A_542, %select_n3A_427, %select_n3A_526 : vector<128x1024xi1>, vector<128x1024xi32>
    %jit3A_557 = arith.constant 0x7F800000 : f32
    %broadcast_in_dim3A_558 = vector.broadcast %jit3A_557 : f32 to vector<128x1024xf32>
    %select_n3A_559 = arith.select %eq3A_542, %broadcast_in_dim3A_558, %select_n3A_529 : vector<128x1024xi1>, vector<128x1024xf32>
    %reduce_min3A_560 = arith.constant dense<0x7F800000> : vector<128xf32>
    %reduce_min3A_561 = vector.multi_reduction <minimumf>, %select_n3A_543, %reduce_min3A_560 [1] : vector<128x1024xf32> to vector<128xf32>
    %broadcast_in_dim3A_562 = vector.shape_cast %reduce_min3A_561 : vector<128xf32> to vector<128x1xf32>
    %eq3A_563 = vector.broadcast %broadcast_in_dim3A_562 : vector<128x1xf32> to vector<128x1024xf32>
    %eq3A_564 = arith.cmpf oeq, %select_n3A_543, %eq3A_563 : vector<128x1024xf32>
    %jit3A_565 = arith.constant 8192 : i32
    %broadcast_in_dim3A_566 = vector.broadcast %jit3A_565 : i32 to vector<128x1024xi32>
    %select_n3A_567 = arith.select %eq3A_564, %select_n3A_544, %broadcast_in_dim3A_566 : vector<128x1024xi1>, vector<128x1024xi32>
    %reduce_min3A_568 = arith.constant dense<2147483647> : vector<128xi32>
    %reduce_min3A_569 = vector.multi_reduction <minsi>, %select_n3A_567, %reduce_min3A_568 [1] : vector<128x1024xi32> to vector<128xi32>
    %broadcast_in_dim3A_570 = vector.shape_cast %reduce_min3A_569 : vector<128xi32> to vector<128x1xi32>
    %eq3A_571 = vector.broadcast %broadcast_in_dim3A_570 : vector<128x1xi32> to vector<128x1024xi32>
    %eq3A_572 = arith.cmpi eq, %select_n3A_544, %eq3A_571 : vector<128x1024xi32>
    %select_n3A_573 = arith.select %eq3A_572, %select_n3A_545, %select_n3A_543 : vector<128x1024xi1>, vector<128x1024xf32>
    %select_n3A_574 = arith.select %eq3A_572, %select_n3A_546, %select_n3A_544 : vector<128x1024xi1>, vector<128x1024xi32>
    %select_n3A_575 = arith.select %eq3A_572, %select_n3A_547, %select_n3A_545 : vector<128x1024xi1>, vector<128x1024xf32>
    %select_n3A_576 = arith.select %eq3A_572, %select_n3A_548, %select_n3A_546 : vector<128x1024xi1>, vector<128x1024xi32>
    %select_n3A_577 = arith.select %eq3A_572, %select_n3A_549, %select_n3A_547 : vector<128x1024xi1>, vector<128x1024xf32>
    %select_n3A_578 = arith.select %eq3A_572, %select_n3A_550, %select_n3A_548 : vector<128x1024xi1>, vector<128x1024xi32>
    %select_n3A_579 = arith.select %eq3A_572, %select_n3A_551, %select_n3A_549 : vector<128x1024xi1>, vector<128x1024xf32>
    %select_n3A_580 = arith.select %eq3A_572, %select_n3A_552, %select_n3A_550 : vector<128x1024xi1>, vector<128x1024xi32>
    %select_n3A_581 = arith.select %eq3A_572, %select_n3A_553, %select_n3A_551 : vector<128x1024xi1>, vector<128x1024xf32>
    %select_n3A_582 = arith.select %eq3A_572, %select_n3A_554, %select_n3A_552 : vector<128x1024xi1>, vector<128x1024xi32>
    %select_n3A_583 = arith.select %eq3A_572, %select_n3A_555, %select_n3A_553 : vector<128x1024xi1>, vector<128x1024xf32>
    %select_n3A_584 = arith.select %eq3A_572, %select_n3A_556, %select_n3A_554 : vector<128x1024xi1>, vector<128x1024xi32>
    %select_n3A_585 = arith.select %eq3A_572, %select_n3A_559, %select_n3A_555 : vector<128x1024xi1>, vector<128x1024xf32>
    %select_n3A_586 = arith.select %eq3A_572, %select_n3A_427, %select_n3A_556 : vector<128x1024xi1>, vector<128x1024xi32>
    %jit3A_587 = arith.constant 0x7F800000 : f32
    %broadcast_in_dim3A_588 = vector.broadcast %jit3A_587 : f32 to vector<128x1024xf32>
    %select_n3A_589 = arith.select %eq3A_572, %broadcast_in_dim3A_588, %select_n3A_559 : vector<128x1024xi1>, vector<128x1024xf32>
    %reduce_min3A_590 = arith.constant dense<0x7F800000> : vector<128xf32>
    %reduce_min3A_591 = vector.multi_reduction <minimumf>, %select_n3A_573, %reduce_min3A_590 [1] : vector<128x1024xf32> to vector<128xf32>
    %broadcast_in_dim3A_592 = vector.shape_cast %reduce_min3A_591 : vector<128xf32> to vector<128x1xf32>
    %eq3A_593 = vector.broadcast %broadcast_in_dim3A_592 : vector<128x1xf32> to vector<128x1024xf32>
    %eq3A_594 = arith.cmpf oeq, %select_n3A_573, %eq3A_593 : vector<128x1024xf32>
    %jit3A_595 = arith.constant 8192 : i32
    %broadcast_in_dim3A_596 = vector.broadcast %jit3A_595 : i32 to vector<128x1024xi32>
    %select_n3A_597 = arith.select %eq3A_594, %select_n3A_574, %broadcast_in_dim3A_596 : vector<128x1024xi1>, vector<128x1024xi32>
    %reduce_min3A_598 = arith.constant dense<2147483647> : vector<128xi32>
    %reduce_min3A_599 = vector.multi_reduction <minsi>, %select_n3A_597, %reduce_min3A_598 [1] : vector<128x1024xi32> to vector<128xi32>
    %broadcast_in_dim3A_600 = vector.shape_cast %reduce_min3A_599 : vector<128xi32> to vector<128x1xi32>
    %eq3A_601 = vector.broadcast %broadcast_in_dim3A_600 : vector<128x1xi32> to vector<128x1024xi32>
    %eq3A_602 = arith.cmpi eq, %select_n3A_574, %eq3A_601 : vector<128x1024xi32>
    %select_n3A_603 = arith.select %eq3A_602, %select_n3A_575, %select_n3A_573 : vector<128x1024xi1>, vector<128x1024xf32>
    %select_n3A_604 = arith.select %eq3A_602, %select_n3A_576, %select_n3A_574 : vector<128x1024xi1>, vector<128x1024xi32>
    %select_n3A_605 = arith.select %eq3A_602, %select_n3A_577, %select_n3A_575 : vector<128x1024xi1>, vector<128x1024xf32>
    %select_n3A_606 = arith.select %eq3A_602, %select_n3A_578, %select_n3A_576 : vector<128x1024xi1>, vector<128x1024xi32>
    %select_n3A_607 = arith.select %eq3A_602, %select_n3A_579, %select_n3A_577 : vector<128x1024xi1>, vector<128x1024xf32>
    %select_n3A_608 = arith.select %eq3A_602, %select_n3A_580, %select_n3A_578 : vector<128x1024xi1>, vector<128x1024xi32>
    %select_n3A_609 = arith.select %eq3A_602, %select_n3A_581, %select_n3A_579 : vector<128x1024xi1>, vector<128x1024xf32>
    %select_n3A_610 = arith.select %eq3A_602, %select_n3A_582, %select_n3A_580 : vector<128x1024xi1>, vector<128x1024xi32>
    %select_n3A_611 = arith.select %eq3A_602, %select_n3A_583, %select_n3A_581 : vector<128x1024xi1>, vector<128x1024xf32>
    %select_n3A_612 = arith.select %eq3A_602, %select_n3A_584, %select_n3A_582 : vector<128x1024xi1>, vector<128x1024xi32>
    %select_n3A_613 = arith.select %eq3A_602, %select_n3A_585, %select_n3A_583 : vector<128x1024xi1>, vector<128x1024xf32>
    %select_n3A_614 = arith.select %eq3A_602, %select_n3A_586, %select_n3A_584 : vector<128x1024xi1>, vector<128x1024xi32>
    %select_n3A_615 = arith.select %eq3A_602, %select_n3A_589, %select_n3A_585 : vector<128x1024xi1>, vector<128x1024xf32>
    %select_n3A_616 = arith.select %eq3A_602, %select_n3A_427, %select_n3A_586 : vector<128x1024xi1>, vector<128x1024xi32>
    %jit3A_617 = arith.constant 0x7F800000 : f32
    %broadcast_in_dim3A_618 = vector.broadcast %jit3A_617 : f32 to vector<128x1024xf32>
    %select_n3A_619 = arith.select %eq3A_602, %broadcast_in_dim3A_618, %select_n3A_589 : vector<128x1024xi1>, vector<128x1024xf32>
    %reduce_min3A_620 = arith.constant dense<0x7F800000> : vector<128xf32>
    %reduce_min3A_621 = vector.multi_reduction <minimumf>, %select_n3A_603, %reduce_min3A_620 [1] : vector<128x1024xf32> to vector<128xf32>
    %broadcast_in_dim3A_622 = vector.shape_cast %reduce_min3A_621 : vector<128xf32> to vector<128x1xf32>
    %eq3A_623 = vector.broadcast %broadcast_in_dim3A_622 : vector<128x1xf32> to vector<128x1024xf32>
    %eq3A_624 = arith.cmpf oeq, %select_n3A_603, %eq3A_623 : vector<128x1024xf32>
    %jit3A_625 = arith.constant 8192 : i32
    %broadcast_in_dim3A_626 = vector.broadcast %jit3A_625 : i32 to vector<128x1024xi32>
    %select_n3A_627 = arith.select %eq3A_624, %select_n3A_604, %broadcast_in_dim3A_626 : vector<128x1024xi1>, vector<128x1024xi32>
    %reduce_min3A_628 = arith.constant dense<2147483647> : vector<128xi32>
    %reduce_min3A_629 = vector.multi_reduction <minsi>, %select_n3A_627, %reduce_min3A_628 [1] : vector<128x1024xi32> to vector<128xi32>
    %broadcast_in_dim3A_630 = vector.shape_cast %reduce_min3A_629 : vector<128xi32> to vector<128x1xi32>
    %eq3A_631 = vector.broadcast %broadcast_in_dim3A_630 : vector<128x1xi32> to vector<128x1024xi32>
    %eq3A_632 = arith.cmpi eq, %select_n3A_604, %eq3A_631 : vector<128x1024xi32>
    %select_n3A_633 = arith.select %eq3A_632, %select_n3A_605, %select_n3A_603 : vector<128x1024xi1>, vector<128x1024xf32>
    %select_n3A_634 = arith.select %eq3A_632, %select_n3A_606, %select_n3A_604 : vector<128x1024xi1>, vector<128x1024xi32>
    %select_n3A_635 = arith.select %eq3A_632, %select_n3A_607, %select_n3A_605 : vector<128x1024xi1>, vector<128x1024xf32>
    %select_n3A_636 = arith.select %eq3A_632, %select_n3A_608, %select_n3A_606 : vector<128x1024xi1>, vector<128x1024xi32>
    %select_n3A_637 = arith.select %eq3A_632, %select_n3A_609, %select_n3A_607 : vector<128x1024xi1>, vector<128x1024xf32>
    %select_n3A_638 = arith.select %eq3A_632, %select_n3A_610, %select_n3A_608 : vector<128x1024xi1>, vector<128x1024xi32>
    %select_n3A_639 = arith.select %eq3A_632, %select_n3A_611, %select_n3A_609 : vector<128x1024xi1>, vector<128x1024xf32>
    %select_n3A_640 = arith.select %eq3A_632, %select_n3A_612, %select_n3A_610 : vector<128x1024xi1>, vector<128x1024xi32>
    %select_n3A_641 = arith.select %eq3A_632, %select_n3A_613, %select_n3A_611 : vector<128x1024xi1>, vector<128x1024xf32>
    %select_n3A_642 = arith.select %eq3A_632, %select_n3A_614, %select_n3A_612 : vector<128x1024xi1>, vector<128x1024xi32>
    %select_n3A_643 = arith.select %eq3A_632, %select_n3A_615, %select_n3A_613 : vector<128x1024xi1>, vector<128x1024xf32>
    %select_n3A_644 = arith.select %eq3A_632, %select_n3A_616, %select_n3A_614 : vector<128x1024xi1>, vector<128x1024xi32>
    %select_n3A_645 = arith.select %eq3A_632, %select_n3A_619, %select_n3A_615 : vector<128x1024xi1>, vector<128x1024xf32>
    %select_n3A_646 = arith.select %eq3A_632, %select_n3A_427, %select_n3A_616 : vector<128x1024xi1>, vector<128x1024xi32>
    %jit3A_647 = arith.constant 0x7F800000 : f32
    %broadcast_in_dim3A_648 = vector.broadcast %jit3A_647 : f32 to vector<128x1024xf32>
    %select_n3A_649 = arith.select %eq3A_632, %broadcast_in_dim3A_648, %select_n3A_619 : vector<128x1024xi1>, vector<128x1024xf32>
    %reduce_min3A_650 = arith.constant dense<0x7F800000> : vector<128xf32>
    %reduce_min3A_651 = vector.multi_reduction <minimumf>, %select_n3A_633, %reduce_min3A_650 [1] : vector<128x1024xf32> to vector<128xf32>
    %broadcast_in_dim3A_652 = vector.shape_cast %reduce_min3A_651 : vector<128xf32> to vector<128x1xf32>
    %eq3A_653 = vector.broadcast %broadcast_in_dim3A_652 : vector<128x1xf32> to vector<128x1024xf32>
    %eq3A_654 = arith.cmpf oeq, %select_n3A_633, %eq3A_653 : vector<128x1024xf32>
    %jit3A_655 = arith.constant 8192 : i32
    %broadcast_in_dim3A_656 = vector.broadcast %jit3A_655 : i32 to vector<128x1024xi32>
    %select_n3A_657 = arith.select %eq3A_654, %select_n3A_634, %broadcast_in_dim3A_656 : vector<128x1024xi1>, vector<128x1024xi32>
    %reduce_min3A_658 = arith.constant dense<2147483647> : vector<128xi32>
    %reduce_min3A_659 = vector.multi_reduction <minsi>, %select_n3A_657, %reduce_min3A_658 [1] : vector<128x1024xi32> to vector<128xi32>
    %broadcast_in_dim3A_660 = vector.shape_cast %reduce_min3A_659 : vector<128xi32> to vector<128x1xi32>
    %eq3A_661 = vector.broadcast %broadcast_in_dim3A_660 : vector<128x1xi32> to vector<128x1024xi32>
    %eq3A_662 = arith.cmpi eq, %select_n3A_634, %eq3A_661 : vector<128x1024xi32>
    %select_n3A_663 = arith.select %eq3A_662, %select_n3A_635, %select_n3A_633 : vector<128x1024xi1>, vector<128x1024xf32>
    %select_n3A_664 = arith.select %eq3A_662, %select_n3A_636, %select_n3A_634 : vector<128x1024xi1>, vector<128x1024xi32>
    %select_n3A_665 = arith.select %eq3A_662, %select_n3A_637, %select_n3A_635 : vector<128x1024xi1>, vector<128x1024xf32>
    %select_n3A_666 = arith.select %eq3A_662, %select_n3A_638, %select_n3A_636 : vector<128x1024xi1>, vector<128x1024xi32>
    %select_n3A_667 = arith.select %eq3A_662, %select_n3A_639, %select_n3A_637 : vector<128x1024xi1>, vector<128x1024xf32>
    %select_n3A_668 = arith.select %eq3A_662, %select_n3A_640, %select_n3A_638 : vector<128x1024xi1>, vector<128x1024xi32>
    %select_n3A_669 = arith.select %eq3A_662, %select_n3A_641, %select_n3A_639 : vector<128x1024xi1>, vector<128x1024xf32>
    %select_n3A_670 = arith.select %eq3A_662, %select_n3A_642, %select_n3A_640 : vector<128x1024xi1>, vector<128x1024xi32>
    %select_n3A_671 = arith.select %eq3A_662, %select_n3A_643, %select_n3A_641 : vector<128x1024xi1>, vector<128x1024xf32>
    %select_n3A_672 = arith.select %eq3A_662, %select_n3A_644, %select_n3A_642 : vector<128x1024xi1>, vector<128x1024xi32>
    %select_n3A_673 = arith.select %eq3A_662, %select_n3A_645, %select_n3A_643 : vector<128x1024xi1>, vector<128x1024xf32>
    %select_n3A_674 = arith.select %eq3A_662, %select_n3A_646, %select_n3A_644 : vector<128x1024xi1>, vector<128x1024xi32>
    %select_n3A_675 = arith.select %eq3A_662, %select_n3A_649, %select_n3A_645 : vector<128x1024xi1>, vector<128x1024xf32>
    %select_n3A_676 = arith.select %eq3A_662, %select_n3A_427, %select_n3A_646 : vector<128x1024xi1>, vector<128x1024xi32>
    %jit3A_677 = arith.constant 0x7F800000 : f32
    %broadcast_in_dim3A_678 = vector.broadcast %jit3A_677 : f32 to vector<128x1024xf32>
    %select_n3A_679 = arith.select %eq3A_662, %broadcast_in_dim3A_678, %select_n3A_649 : vector<128x1024xi1>, vector<128x1024xf32>
    %reduce_min3A_680 = arith.constant dense<0x7F800000> : vector<128xf32>
    %reduce_min3A_681 = vector.multi_reduction <minimumf>, %select_n3A_663, %reduce_min3A_680 [1] : vector<128x1024xf32> to vector<128xf32>
    %broadcast_in_dim3A_682 = vector.shape_cast %reduce_min3A_681 : vector<128xf32> to vector<128x1xf32>
    %eq3A_683 = vector.broadcast %broadcast_in_dim3A_682 : vector<128x1xf32> to vector<128x1024xf32>
    %eq3A_684 = arith.cmpf oeq, %select_n3A_663, %eq3A_683 : vector<128x1024xf32>
    %jit3A_685 = arith.constant 8192 : i32
    %broadcast_in_dim3A_686 = vector.broadcast %jit3A_685 : i32 to vector<128x1024xi32>
    %select_n3A_687 = arith.select %eq3A_684, %select_n3A_664, %broadcast_in_dim3A_686 : vector<128x1024xi1>, vector<128x1024xi32>
    %reduce_min3A_688 = arith.constant dense<2147483647> : vector<128xi32>
    %reduce_min3A_689 = vector.multi_reduction <minsi>, %select_n3A_687, %reduce_min3A_688 [1] : vector<128x1024xi32> to vector<128xi32>
    %broadcast_in_dim3A_690 = vector.shape_cast %reduce_min3A_689 : vector<128xi32> to vector<128x1xi32>
    %eq3A_691 = vector.broadcast %broadcast_in_dim3A_690 : vector<128x1xi32> to vector<128x1024xi32>
    %eq3A_692 = arith.cmpi eq, %select_n3A_664, %eq3A_691 : vector<128x1024xi32>
    %select_n3A_693 = arith.select %eq3A_692, %select_n3A_665, %select_n3A_663 : vector<128x1024xi1>, vector<128x1024xf32>
    %select_n3A_694 = arith.select %eq3A_692, %select_n3A_666, %select_n3A_664 : vector<128x1024xi1>, vector<128x1024xi32>
    %select_n3A_695 = arith.select %eq3A_692, %select_n3A_667, %select_n3A_665 : vector<128x1024xi1>, vector<128x1024xf32>
    %select_n3A_696 = arith.select %eq3A_692, %select_n3A_668, %select_n3A_666 : vector<128x1024xi1>, vector<128x1024xi32>
    %select_n3A_697 = arith.select %eq3A_692, %select_n3A_669, %select_n3A_667 : vector<128x1024xi1>, vector<128x1024xf32>
    %select_n3A_698 = arith.select %eq3A_692, %select_n3A_670, %select_n3A_668 : vector<128x1024xi1>, vector<128x1024xi32>
    %select_n3A_699 = arith.select %eq3A_692, %select_n3A_671, %select_n3A_669 : vector<128x1024xi1>, vector<128x1024xf32>
    %select_n3A_700 = arith.select %eq3A_692, %select_n3A_672, %select_n3A_670 : vector<128x1024xi1>, vector<128x1024xi32>
    %select_n3A_701 = arith.select %eq3A_692, %select_n3A_673, %select_n3A_671 : vector<128x1024xi1>, vector<128x1024xf32>
    %select_n3A_702 = arith.select %eq3A_692, %select_n3A_674, %select_n3A_672 : vector<128x1024xi1>, vector<128x1024xi32>
    %select_n3A_703 = arith.select %eq3A_692, %select_n3A_675, %select_n3A_673 : vector<128x1024xi1>, vector<128x1024xf32>
    %select_n3A_704 = arith.select %eq3A_692, %select_n3A_676, %select_n3A_674 : vector<128x1024xi1>, vector<128x1024xi32>
    %select_n3A_705 = arith.select %eq3A_692, %select_n3A_679, %select_n3A_675 : vector<128x1024xi1>, vector<128x1024xf32>
    %select_n3A_706 = arith.select %eq3A_692, %select_n3A_427, %select_n3A_676 : vector<128x1024xi1>, vector<128x1024xi32>
    %jit3A_707 = arith.constant 0x7F800000 : f32
    %broadcast_in_dim3A_708 = vector.broadcast %jit3A_707 : f32 to vector<128x1024xf32>
    %select_n3A_709 = arith.select %eq3A_692, %broadcast_in_dim3A_708, %select_n3A_679 : vector<128x1024xi1>, vector<128x1024xf32>
    %reduce_min3A_710 = arith.constant dense<0x7F800000> : vector<128xf32>
    %reduce_min3A_711 = vector.multi_reduction <minimumf>, %select_n3A_693, %reduce_min3A_710 [1] : vector<128x1024xf32> to vector<128xf32>
    %broadcast_in_dim3A_712 = vector.shape_cast %reduce_min3A_711 : vector<128xf32> to vector<128x1xf32>
    %eq3A_713 = vector.broadcast %broadcast_in_dim3A_712 : vector<128x1xf32> to vector<128x1024xf32>
    %eq3A_714 = arith.cmpf oeq, %select_n3A_693, %eq3A_713 : vector<128x1024xf32>
    %jit3A_715 = arith.constant 8192 : i32
    %broadcast_in_dim3A_716 = vector.broadcast %jit3A_715 : i32 to vector<128x1024xi32>
    %select_n3A_717 = arith.select %eq3A_714, %select_n3A_694, %broadcast_in_dim3A_716 : vector<128x1024xi1>, vector<128x1024xi32>
    %reduce_min3A_718 = arith.constant dense<2147483647> : vector<128xi32>
    %reduce_min3A_719 = vector.multi_reduction <minsi>, %select_n3A_717, %reduce_min3A_718 [1] : vector<128x1024xi32> to vector<128xi32>
    %broadcast_in_dim3A_720 = vector.shape_cast %reduce_min3A_719 : vector<128xi32> to vector<128x1xi32>
    %eq3A_721 = vector.broadcast %broadcast_in_dim3A_720 : vector<128x1xi32> to vector<128x1024xi32>
    %eq3A_722 = arith.cmpi eq, %select_n3A_694, %eq3A_721 : vector<128x1024xi32>
    %select_n3A_723 = arith.select %eq3A_722, %select_n3A_695, %select_n3A_693 : vector<128x1024xi1>, vector<128x1024xf32>
    %select_n3A_724 = arith.select %eq3A_722, %select_n3A_696, %select_n3A_694 : vector<128x1024xi1>, vector<128x1024xi32>
    %select_n3A_725 = arith.select %eq3A_722, %select_n3A_697, %select_n3A_695 : vector<128x1024xi1>, vector<128x1024xf32>
    %select_n3A_726 = arith.select %eq3A_722, %select_n3A_698, %select_n3A_696 : vector<128x1024xi1>, vector<128x1024xi32>
    %select_n3A_727 = arith.select %eq3A_722, %select_n3A_699, %select_n3A_697 : vector<128x1024xi1>, vector<128x1024xf32>
    %select_n3A_728 = arith.select %eq3A_722, %select_n3A_700, %select_n3A_698 : vector<128x1024xi1>, vector<128x1024xi32>
    %select_n3A_729 = arith.select %eq3A_722, %select_n3A_701, %select_n3A_699 : vector<128x1024xi1>, vector<128x1024xf32>
    %select_n3A_730 = arith.select %eq3A_722, %select_n3A_702, %select_n3A_700 : vector<128x1024xi1>, vector<128x1024xi32>
    %select_n3A_731 = arith.select %eq3A_722, %select_n3A_703, %select_n3A_701 : vector<128x1024xi1>, vector<128x1024xf32>
    %select_n3A_732 = arith.select %eq3A_722, %select_n3A_704, %select_n3A_702 : vector<128x1024xi1>, vector<128x1024xi32>
    %select_n3A_733 = arith.select %eq3A_722, %select_n3A_705, %select_n3A_703 : vector<128x1024xi1>, vector<128x1024xf32>
    %select_n3A_734 = arith.select %eq3A_722, %select_n3A_706, %select_n3A_704 : vector<128x1024xi1>, vector<128x1024xi32>
    %select_n3A_735 = arith.select %eq3A_722, %select_n3A_709, %select_n3A_705 : vector<128x1024xi1>, vector<128x1024xf32>
    %select_n3A_736 = arith.select %eq3A_722, %select_n3A_427, %select_n3A_706 : vector<128x1024xi1>, vector<128x1024xi32>
    %jit3A_737 = arith.constant 0x7F800000 : f32
    %broadcast_in_dim3A_738 = vector.broadcast %jit3A_737 : f32 to vector<128x1024xf32>
    %select_n3A_739 = arith.select %eq3A_722, %broadcast_in_dim3A_738, %select_n3A_709 : vector<128x1024xi1>, vector<128x1024xf32>
    %reduce_min3A_740 = arith.constant dense<0x7F800000> : vector<128xf32>
    %reduce_min3A_741 = vector.multi_reduction <minimumf>, %select_n3A_723, %reduce_min3A_740 [1] : vector<128x1024xf32> to vector<128xf32>
    %broadcast_in_dim3A_742 = vector.shape_cast %reduce_min3A_741 : vector<128xf32> to vector<128x1xf32>
    %eq3A_743 = vector.broadcast %broadcast_in_dim3A_742 : vector<128x1xf32> to vector<128x1024xf32>
    %eq3A_744 = arith.cmpf oeq, %select_n3A_723, %eq3A_743 : vector<128x1024xf32>
    %jit3A_745 = arith.constant 8192 : i32
    %broadcast_in_dim3A_746 = vector.broadcast %jit3A_745 : i32 to vector<128x1024xi32>
    %select_n3A_747 = arith.select %eq3A_744, %select_n3A_724, %broadcast_in_dim3A_746 : vector<128x1024xi1>, vector<128x1024xi32>
    %reduce_min3A_748 = arith.constant dense<2147483647> : vector<128xi32>
    %reduce_min3A_749 = vector.multi_reduction <minsi>, %select_n3A_747, %reduce_min3A_748 [1] : vector<128x1024xi32> to vector<128xi32>
    %broadcast_in_dim3A_750 = vector.shape_cast %reduce_min3A_749 : vector<128xi32> to vector<128x1xi32>
    %eq3A_751 = vector.broadcast %broadcast_in_dim3A_750 : vector<128x1xi32> to vector<128x1024xi32>
    %eq3A_752 = arith.cmpi eq, %select_n3A_724, %eq3A_751 : vector<128x1024xi32>
    %select_n3A_753 = arith.select %eq3A_752, %select_n3A_725, %select_n3A_723 : vector<128x1024xi1>, vector<128x1024xf32>
    %select_n3A_754 = arith.select %eq3A_752, %select_n3A_726, %select_n3A_724 : vector<128x1024xi1>, vector<128x1024xi32>
    %select_n3A_755 = arith.select %eq3A_752, %select_n3A_727, %select_n3A_725 : vector<128x1024xi1>, vector<128x1024xf32>
    %select_n3A_756 = arith.select %eq3A_752, %select_n3A_728, %select_n3A_726 : vector<128x1024xi1>, vector<128x1024xi32>
    %select_n3A_757 = arith.select %eq3A_752, %select_n3A_729, %select_n3A_727 : vector<128x1024xi1>, vector<128x1024xf32>
    %select_n3A_758 = arith.select %eq3A_752, %select_n3A_730, %select_n3A_728 : vector<128x1024xi1>, vector<128x1024xi32>
    %select_n3A_759 = arith.select %eq3A_752, %select_n3A_731, %select_n3A_729 : vector<128x1024xi1>, vector<128x1024xf32>
    %select_n3A_760 = arith.select %eq3A_752, %select_n3A_732, %select_n3A_730 : vector<128x1024xi1>, vector<128x1024xi32>
    %select_n3A_761 = arith.select %eq3A_752, %select_n3A_733, %select_n3A_731 : vector<128x1024xi1>, vector<128x1024xf32>
    %select_n3A_762 = arith.select %eq3A_752, %select_n3A_734, %select_n3A_732 : vector<128x1024xi1>, vector<128x1024xi32>
    %select_n3A_763 = arith.select %eq3A_752, %select_n3A_735, %select_n3A_733 : vector<128x1024xi1>, vector<128x1024xf32>
    %select_n3A_764 = arith.select %eq3A_752, %select_n3A_736, %select_n3A_734 : vector<128x1024xi1>, vector<128x1024xi32>
    %select_n3A_765 = arith.select %eq3A_752, %select_n3A_739, %select_n3A_735 : vector<128x1024xi1>, vector<128x1024xf32>
    %select_n3A_766 = arith.select %eq3A_752, %select_n3A_427, %select_n3A_736 : vector<128x1024xi1>, vector<128x1024xi32>
    %jit3A_767 = arith.constant 0x7F800000 : f32
    %broadcast_in_dim3A_768 = vector.broadcast %jit3A_767 : f32 to vector<128x1024xf32>
    %select_n3A_769 = arith.select %eq3A_752, %broadcast_in_dim3A_768, %select_n3A_739 : vector<128x1024xi1>, vector<128x1024xf32>
    %reduce_min3A_770 = arith.constant dense<0x7F800000> : vector<128xf32>
    %reduce_min3A_771 = vector.multi_reduction <minimumf>, %select_n3A_753, %reduce_min3A_770 [1] : vector<128x1024xf32> to vector<128xf32>
    %broadcast_in_dim3A_772 = vector.shape_cast %reduce_min3A_771 : vector<128xf32> to vector<128x1xf32>
    %eq3A_773 = vector.broadcast %broadcast_in_dim3A_772 : vector<128x1xf32> to vector<128x1024xf32>
    %eq3A_774 = arith.cmpf oeq, %select_n3A_753, %eq3A_773 : vector<128x1024xf32>
    %jit3A_775 = arith.constant 8192 : i32
    %broadcast_in_dim3A_776 = vector.broadcast %jit3A_775 : i32 to vector<128x1024xi32>
    %select_n3A_777 = arith.select %eq3A_774, %select_n3A_754, %broadcast_in_dim3A_776 : vector<128x1024xi1>, vector<128x1024xi32>
    %reduce_min3A_778 = arith.constant dense<2147483647> : vector<128xi32>
    %reduce_min3A_779 = vector.multi_reduction <minsi>, %select_n3A_777, %reduce_min3A_778 [1] : vector<128x1024xi32> to vector<128xi32>
    %broadcast_in_dim3A_780 = vector.shape_cast %reduce_min3A_779 : vector<128xi32> to vector<128x1xi32>
    %eq3A_781 = vector.broadcast %broadcast_in_dim3A_780 : vector<128x1xi32> to vector<128x1024xi32>
    %eq3A_782 = arith.cmpi eq, %select_n3A_754, %eq3A_781 : vector<128x1024xi32>
    %select_n3A_783 = arith.select %eq3A_782, %select_n3A_755, %select_n3A_753 : vector<128x1024xi1>, vector<128x1024xf32>
    %select_n3A_784 = arith.select %eq3A_782, %select_n3A_756, %select_n3A_754 : vector<128x1024xi1>, vector<128x1024xi32>
    %select_n3A_785 = arith.select %eq3A_782, %select_n3A_757, %select_n3A_755 : vector<128x1024xi1>, vector<128x1024xf32>
    %select_n3A_786 = arith.select %eq3A_782, %select_n3A_758, %select_n3A_756 : vector<128x1024xi1>, vector<128x1024xi32>
    %select_n3A_787 = arith.select %eq3A_782, %select_n3A_759, %select_n3A_757 : vector<128x1024xi1>, vector<128x1024xf32>
    %select_n3A_788 = arith.select %eq3A_782, %select_n3A_760, %select_n3A_758 : vector<128x1024xi1>, vector<128x1024xi32>
    %select_n3A_789 = arith.select %eq3A_782, %select_n3A_761, %select_n3A_759 : vector<128x1024xi1>, vector<128x1024xf32>
    %select_n3A_790 = arith.select %eq3A_782, %select_n3A_762, %select_n3A_760 : vector<128x1024xi1>, vector<128x1024xi32>
    %select_n3A_791 = arith.select %eq3A_782, %select_n3A_763, %select_n3A_761 : vector<128x1024xi1>, vector<128x1024xf32>
    %select_n3A_792 = arith.select %eq3A_782, %select_n3A_764, %select_n3A_762 : vector<128x1024xi1>, vector<128x1024xi32>
    %select_n3A_793 = arith.select %eq3A_782, %select_n3A_765, %select_n3A_763 : vector<128x1024xi1>, vector<128x1024xf32>
    %select_n3A_794 = arith.select %eq3A_782, %select_n3A_766, %select_n3A_764 : vector<128x1024xi1>, vector<128x1024xi32>
    %select_n3A_795 = arith.select %eq3A_782, %select_n3A_769, %select_n3A_765 : vector<128x1024xi1>, vector<128x1024xf32>
    %select_n3A_796 = arith.select %eq3A_782, %select_n3A_427, %select_n3A_766 : vector<128x1024xi1>, vector<128x1024xi32>
    %jit3A_797 = arith.constant 0x7F800000 : f32
    %broadcast_in_dim3A_798 = vector.broadcast %jit3A_797 : f32 to vector<128x1024xf32>
    %select_n3A_799 = arith.select %eq3A_782, %broadcast_in_dim3A_798, %select_n3A_769 : vector<128x1024xi1>, vector<128x1024xf32>
    %reduce_min3A_800 = arith.constant dense<0x7F800000> : vector<128xf32>
    %reduce_min3A_801 = vector.multi_reduction <minimumf>, %select_n3A_783, %reduce_min3A_800 [1] : vector<128x1024xf32> to vector<128xf32>
    %broadcast_in_dim3A_802 = vector.shape_cast %reduce_min3A_801 : vector<128xf32> to vector<128x1xf32>
    %eq3A_803 = vector.broadcast %broadcast_in_dim3A_802 : vector<128x1xf32> to vector<128x1024xf32>
    %eq3A_804 = arith.cmpf oeq, %select_n3A_783, %eq3A_803 : vector<128x1024xf32>
    %jit3A_805 = arith.constant 8192 : i32
    %broadcast_in_dim3A_806 = vector.broadcast %jit3A_805 : i32 to vector<128x1024xi32>
    %select_n3A_807 = arith.select %eq3A_804, %select_n3A_784, %broadcast_in_dim3A_806 : vector<128x1024xi1>, vector<128x1024xi32>
    %reduce_min3A_808 = arith.constant dense<2147483647> : vector<128xi32>
    %reduce_min3A_809 = vector.multi_reduction <minsi>, %select_n3A_807, %reduce_min3A_808 [1] : vector<128x1024xi32> to vector<128xi32>
    %broadcast_in_dim3A_810 = vector.shape_cast %reduce_min3A_809 : vector<128xi32> to vector<128x1xi32>
    %eq3A_811 = vector.broadcast %broadcast_in_dim3A_810 : vector<128x1xi32> to vector<128x1024xi32>
    %eq3A_812 = arith.cmpi eq, %select_n3A_784, %eq3A_811 : vector<128x1024xi32>
    %select_n3A_813 = arith.select %eq3A_812, %select_n3A_785, %select_n3A_783 : vector<128x1024xi1>, vector<128x1024xf32>
    %select_n3A_814 = arith.select %eq3A_812, %select_n3A_786, %select_n3A_784 : vector<128x1024xi1>, vector<128x1024xi32>
    %select_n3A_815 = arith.select %eq3A_812, %select_n3A_787, %select_n3A_785 : vector<128x1024xi1>, vector<128x1024xf32>
    %select_n3A_816 = arith.select %eq3A_812, %select_n3A_788, %select_n3A_786 : vector<128x1024xi1>, vector<128x1024xi32>
    %select_n3A_817 = arith.select %eq3A_812, %select_n3A_789, %select_n3A_787 : vector<128x1024xi1>, vector<128x1024xf32>
    %select_n3A_818 = arith.select %eq3A_812, %select_n3A_790, %select_n3A_788 : vector<128x1024xi1>, vector<128x1024xi32>
    %select_n3A_819 = arith.select %eq3A_812, %select_n3A_791, %select_n3A_789 : vector<128x1024xi1>, vector<128x1024xf32>
    %select_n3A_820 = arith.select %eq3A_812, %select_n3A_792, %select_n3A_790 : vector<128x1024xi1>, vector<128x1024xi32>
    %select_n3A_821 = arith.select %eq3A_812, %select_n3A_793, %select_n3A_791 : vector<128x1024xi1>, vector<128x1024xf32>
    %select_n3A_822 = arith.select %eq3A_812, %select_n3A_794, %select_n3A_792 : vector<128x1024xi1>, vector<128x1024xi32>
    %select_n3A_823 = arith.select %eq3A_812, %select_n3A_795, %select_n3A_793 : vector<128x1024xi1>, vector<128x1024xf32>
    %select_n3A_824 = arith.select %eq3A_812, %select_n3A_796, %select_n3A_794 : vector<128x1024xi1>, vector<128x1024xi32>
    %select_n3A_825 = arith.select %eq3A_812, %select_n3A_799, %select_n3A_795 : vector<128x1024xi1>, vector<128x1024xf32>
    %select_n3A_826 = arith.select %eq3A_812, %select_n3A_427, %select_n3A_796 : vector<128x1024xi1>, vector<128x1024xi32>
    %jit3A_827 = arith.constant 0x7F800000 : f32
    %broadcast_in_dim3A_828 = vector.broadcast %jit3A_827 : f32 to vector<128x1024xf32>
    %select_n3A_829 = arith.select %eq3A_812, %broadcast_in_dim3A_828, %select_n3A_799 : vector<128x1024xi1>, vector<128x1024xf32>
    %reduce_min3A_830 = arith.constant dense<0x7F800000> : vector<128xf32>
    %reduce_min3A_831 = vector.multi_reduction <minimumf>, %select_n3A_813, %reduce_min3A_830 [1] : vector<128x1024xf32> to vector<128xf32>
    %broadcast_in_dim3A_832 = vector.shape_cast %reduce_min3A_831 : vector<128xf32> to vector<128x1xf32>
    %eq3A_833 = vector.broadcast %broadcast_in_dim3A_832 : vector<128x1xf32> to vector<128x1024xf32>
    %eq3A_834 = arith.cmpf oeq, %select_n3A_813, %eq3A_833 : vector<128x1024xf32>
    %jit3A_835 = arith.constant 8192 : i32
    %broadcast_in_dim3A_836 = vector.broadcast %jit3A_835 : i32 to vector<128x1024xi32>
    %select_n3A_837 = arith.select %eq3A_834, %select_n3A_814, %broadcast_in_dim3A_836 : vector<128x1024xi1>, vector<128x1024xi32>
    %reduce_min3A_838 = arith.constant dense<2147483647> : vector<128xi32>
    %reduce_min3A_839 = vector.multi_reduction <minsi>, %select_n3A_837, %reduce_min3A_838 [1] : vector<128x1024xi32> to vector<128xi32>
    %broadcast_in_dim3A_840 = vector.shape_cast %reduce_min3A_839 : vector<128xi32> to vector<128x1xi32>
    %eq3A_841 = vector.broadcast %broadcast_in_dim3A_840 : vector<128x1xi32> to vector<128x1024xi32>
    %eq3A_842 = arith.cmpi eq, %select_n3A_814, %eq3A_841 : vector<128x1024xi32>
    %select_n3A_843 = arith.select %eq3A_842, %select_n3A_815, %select_n3A_813 : vector<128x1024xi1>, vector<128x1024xf32>
    %select_n3A_844 = arith.select %eq3A_842, %select_n3A_816, %select_n3A_814 : vector<128x1024xi1>, vector<128x1024xi32>
    %select_n3A_845 = arith.select %eq3A_842, %select_n3A_817, %select_n3A_815 : vector<128x1024xi1>, vector<128x1024xf32>
    %select_n3A_846 = arith.select %eq3A_842, %select_n3A_818, %select_n3A_816 : vector<128x1024xi1>, vector<128x1024xi32>
    %select_n3A_847 = arith.select %eq3A_842, %select_n3A_819, %select_n3A_817 : vector<128x1024xi1>, vector<128x1024xf32>
    %select_n3A_848 = arith.select %eq3A_842, %select_n3A_820, %select_n3A_818 : vector<128x1024xi1>, vector<128x1024xi32>
    %select_n3A_849 = arith.select %eq3A_842, %select_n3A_821, %select_n3A_819 : vector<128x1024xi1>, vector<128x1024xf32>
    %select_n3A_850 = arith.select %eq3A_842, %select_n3A_822, %select_n3A_820 : vector<128x1024xi1>, vector<128x1024xi32>
    %select_n3A_851 = arith.select %eq3A_842, %select_n3A_823, %select_n3A_821 : vector<128x1024xi1>, vector<128x1024xf32>
    %select_n3A_852 = arith.select %eq3A_842, %select_n3A_824, %select_n3A_822 : vector<128x1024xi1>, vector<128x1024xi32>
    %select_n3A_853 = arith.select %eq3A_842, %select_n3A_825, %select_n3A_823 : vector<128x1024xi1>, vector<128x1024xf32>
    %select_n3A_854 = arith.select %eq3A_842, %select_n3A_826, %select_n3A_824 : vector<128x1024xi1>, vector<128x1024xi32>
    %select_n3A_855 = arith.select %eq3A_842, %select_n3A_829, %select_n3A_825 : vector<128x1024xi1>, vector<128x1024xf32>
    %select_n3A_856 = arith.select %eq3A_842, %select_n3A_427, %select_n3A_826 : vector<128x1024xi1>, vector<128x1024xi32>
    %jit3A_857 = arith.constant 0x7F800000 : f32
    %broadcast_in_dim3A_858 = vector.broadcast %jit3A_857 : f32 to vector<128x1024xf32>
    %select_n3A_859 = arith.select %eq3A_842, %broadcast_in_dim3A_858, %select_n3A_829 : vector<128x1024xi1>, vector<128x1024xf32>
    %reduce_min3A_860 = arith.constant dense<0x7F800000> : vector<128xf32>
    %reduce_min3A_861 = vector.multi_reduction <minimumf>, %select_n3A_843, %reduce_min3A_860 [1] : vector<128x1024xf32> to vector<128xf32>
    %broadcast_in_dim3A_862 = vector.shape_cast %reduce_min3A_861 : vector<128xf32> to vector<128x1xf32>
    %eq3A_863 = vector.broadcast %broadcast_in_dim3A_862 : vector<128x1xf32> to vector<128x1024xf32>
    %eq3A_864 = arith.cmpf oeq, %select_n3A_843, %eq3A_863 : vector<128x1024xf32>
    %jit3A_865 = arith.constant 8192 : i32
    %broadcast_in_dim3A_866 = vector.broadcast %jit3A_865 : i32 to vector<128x1024xi32>
    %select_n3A_867 = arith.select %eq3A_864, %select_n3A_844, %broadcast_in_dim3A_866 : vector<128x1024xi1>, vector<128x1024xi32>
    %reduce_min3A_868 = arith.constant dense<2147483647> : vector<128xi32>
    %reduce_min3A_869 = vector.multi_reduction <minsi>, %select_n3A_867, %reduce_min3A_868 [1] : vector<128x1024xi32> to vector<128xi32>
    %broadcast_in_dim3A_870 = vector.shape_cast %reduce_min3A_869 : vector<128xi32> to vector<128x1xi32>
    %eq3A_871 = vector.broadcast %broadcast_in_dim3A_870 : vector<128x1xi32> to vector<128x1024xi32>
    %eq3A_872 = arith.cmpi eq, %select_n3A_844, %eq3A_871 : vector<128x1024xi32>
    %select_n3A_873 = arith.select %eq3A_872, %select_n3A_845, %select_n3A_843 : vector<128x1024xi1>, vector<128x1024xf32>
    %select_n3A_874 = arith.select %eq3A_872, %select_n3A_846, %select_n3A_844 : vector<128x1024xi1>, vector<128x1024xi32>
    %select_n3A_875 = arith.select %eq3A_872, %select_n3A_847, %select_n3A_845 : vector<128x1024xi1>, vector<128x1024xf32>
    %select_n3A_876 = arith.select %eq3A_872, %select_n3A_848, %select_n3A_846 : vector<128x1024xi1>, vector<128x1024xi32>
    %select_n3A_877 = arith.select %eq3A_872, %select_n3A_849, %select_n3A_847 : vector<128x1024xi1>, vector<128x1024xf32>
    %select_n3A_878 = arith.select %eq3A_872, %select_n3A_850, %select_n3A_848 : vector<128x1024xi1>, vector<128x1024xi32>
    %select_n3A_879 = arith.select %eq3A_872, %select_n3A_851, %select_n3A_849 : vector<128x1024xi1>, vector<128x1024xf32>
    %select_n3A_880 = arith.select %eq3A_872, %select_n3A_852, %select_n3A_850 : vector<128x1024xi1>, vector<128x1024xi32>
    %select_n3A_881 = arith.select %eq3A_872, %select_n3A_853, %select_n3A_851 : vector<128x1024xi1>, vector<128x1024xf32>
    %select_n3A_882 = arith.select %eq3A_872, %select_n3A_854, %select_n3A_852 : vector<128x1024xi1>, vector<128x1024xi32>
    %select_n3A_883 = arith.select %eq3A_872, %select_n3A_855, %select_n3A_853 : vector<128x1024xi1>, vector<128x1024xf32>
    %select_n3A_884 = arith.select %eq3A_872, %select_n3A_856, %select_n3A_854 : vector<128x1024xi1>, vector<128x1024xi32>
    %select_n3A_885 = arith.select %eq3A_872, %select_n3A_859, %select_n3A_855 : vector<128x1024xi1>, vector<128x1024xf32>
    %select_n3A_886 = arith.select %eq3A_872, %select_n3A_427, %select_n3A_856 : vector<128x1024xi1>, vector<128x1024xi32>
    %jit3A_887 = arith.constant 0x7F800000 : f32
    %broadcast_in_dim3A_888 = vector.broadcast %jit3A_887 : f32 to vector<128x1024xf32>
    %select_n3A_889 = arith.select %eq3A_872, %broadcast_in_dim3A_888, %select_n3A_859 : vector<128x1024xi1>, vector<128x1024xf32>
    %reduce_min3A_890 = arith.constant dense<0x7F800000> : vector<128xf32>
    %reduce_min3A_891 = vector.multi_reduction <minimumf>, %select_n3A_873, %reduce_min3A_890 [1] : vector<128x1024xf32> to vector<128xf32>
    %broadcast_in_dim3A_892 = vector.shape_cast %reduce_min3A_891 : vector<128xf32> to vector<128x1xf32>
    %eq3A_893 = vector.broadcast %broadcast_in_dim3A_892 : vector<128x1xf32> to vector<128x1024xf32>
    %eq3A_894 = arith.cmpf oeq, %select_n3A_873, %eq3A_893 : vector<128x1024xf32>
    %jit3A_895 = arith.constant 8192 : i32
    %broadcast_in_dim3A_896 = vector.broadcast %jit3A_895 : i32 to vector<128x1024xi32>
    %select_n3A_897 = arith.select %eq3A_894, %select_n3A_874, %broadcast_in_dim3A_896 : vector<128x1024xi1>, vector<128x1024xi32>
    %reduce_min3A_898 = arith.constant dense<2147483647> : vector<128xi32>
    %reduce_min3A_899 = vector.multi_reduction <minsi>, %select_n3A_897, %reduce_min3A_898 [1] : vector<128x1024xi32> to vector<128xi32>
    %broadcast_in_dim3A_900 = vector.shape_cast %reduce_min3A_899 : vector<128xi32> to vector<128x1xi32>
    %eq3A_901 = vector.broadcast %broadcast_in_dim3A_900 : vector<128x1xi32> to vector<128x1024xi32>
    %eq3A_902 = arith.cmpi eq, %select_n3A_874, %eq3A_901 : vector<128x1024xi32>
    %select_n3A_903 = arith.select %eq3A_902, %select_n3A_875, %select_n3A_873 : vector<128x1024xi1>, vector<128x1024xf32>
    %select_n3A_904 = arith.select %eq3A_902, %select_n3A_876, %select_n3A_874 : vector<128x1024xi1>, vector<128x1024xi32>
    %select_n3A_905 = arith.select %eq3A_902, %select_n3A_877, %select_n3A_875 : vector<128x1024xi1>, vector<128x1024xf32>
    %select_n3A_906 = arith.select %eq3A_902, %select_n3A_878, %select_n3A_876 : vector<128x1024xi1>, vector<128x1024xi32>
    %select_n3A_907 = arith.select %eq3A_902, %select_n3A_879, %select_n3A_877 : vector<128x1024xi1>, vector<128x1024xf32>
    %select_n3A_908 = arith.select %eq3A_902, %select_n3A_880, %select_n3A_878 : vector<128x1024xi1>, vector<128x1024xi32>
    %select_n3A_909 = arith.select %eq3A_902, %select_n3A_881, %select_n3A_879 : vector<128x1024xi1>, vector<128x1024xf32>
    %select_n3A_910 = arith.select %eq3A_902, %select_n3A_882, %select_n3A_880 : vector<128x1024xi1>, vector<128x1024xi32>
    %select_n3A_911 = arith.select %eq3A_902, %select_n3A_883, %select_n3A_881 : vector<128x1024xi1>, vector<128x1024xf32>
    %select_n3A_912 = arith.select %eq3A_902, %select_n3A_884, %select_n3A_882 : vector<128x1024xi1>, vector<128x1024xi32>
    %select_n3A_913 = arith.select %eq3A_902, %select_n3A_885, %select_n3A_883 : vector<128x1024xi1>, vector<128x1024xf32>
    %select_n3A_914 = arith.select %eq3A_902, %select_n3A_886, %select_n3A_884 : vector<128x1024xi1>, vector<128x1024xi32>
    %select_n3A_915 = arith.select %eq3A_902, %select_n3A_889, %select_n3A_885 : vector<128x1024xi1>, vector<128x1024xf32>
    %select_n3A_916 = arith.select %eq3A_902, %select_n3A_427, %select_n3A_886 : vector<128x1024xi1>, vector<128x1024xi32>
    %jit3A_917 = arith.constant 0x7F800000 : f32
    %broadcast_in_dim3A_918 = vector.broadcast %jit3A_917 : f32 to vector<128x1024xf32>
    %select_n3A_919 = arith.select %eq3A_902, %broadcast_in_dim3A_918, %select_n3A_889 : vector<128x1024xi1>, vector<128x1024xf32>
    %reduce_min3A_920 = arith.constant dense<0x7F800000> : vector<128xf32>
    %reduce_min3A_921 = vector.multi_reduction <minimumf>, %select_n3A_903, %reduce_min3A_920 [1] : vector<128x1024xf32> to vector<128xf32>
    %broadcast_in_dim3A_922 = vector.shape_cast %reduce_min3A_921 : vector<128xf32> to vector<128x1xf32>
    %eq3A_923 = vector.broadcast %broadcast_in_dim3A_922 : vector<128x1xf32> to vector<128x1024xf32>
    %eq3A_924 = arith.cmpf oeq, %select_n3A_903, %eq3A_923 : vector<128x1024xf32>
    %jit3A_925 = arith.constant 8192 : i32
    %broadcast_in_dim3A_926 = vector.broadcast %jit3A_925 : i32 to vector<128x1024xi32>
    %select_n3A_927 = arith.select %eq3A_924, %select_n3A_904, %broadcast_in_dim3A_926 : vector<128x1024xi1>, vector<128x1024xi32>
    %reduce_min3A_928 = arith.constant dense<2147483647> : vector<128xi32>
    %reduce_min3A_929 = vector.multi_reduction <minsi>, %select_n3A_927, %reduce_min3A_928 [1] : vector<128x1024xi32> to vector<128xi32>
    %broadcast_in_dim3A_930 = vector.shape_cast %reduce_min3A_929 : vector<128xi32> to vector<128x1xi32>
    %eq3A_931 = vector.broadcast %broadcast_in_dim3A_930 : vector<128x1xi32> to vector<128x1024xi32>
    %eq3A_932 = arith.cmpi eq, %select_n3A_904, %eq3A_931 : vector<128x1024xi32>
    %select_n3A_933 = arith.select %eq3A_932, %select_n3A_905, %select_n3A_903 : vector<128x1024xi1>, vector<128x1024xf32>
    %select_n3A_934 = arith.select %eq3A_932, %select_n3A_906, %select_n3A_904 : vector<128x1024xi1>, vector<128x1024xi32>
    %select_n3A_935 = arith.select %eq3A_932, %select_n3A_907, %select_n3A_905 : vector<128x1024xi1>, vector<128x1024xf32>
    %select_n3A_936 = arith.select %eq3A_932, %select_n3A_908, %select_n3A_906 : vector<128x1024xi1>, vector<128x1024xi32>
    %select_n3A_937 = arith.select %eq3A_932, %select_n3A_909, %select_n3A_907 : vector<128x1024xi1>, vector<128x1024xf32>
    %select_n3A_938 = arith.select %eq3A_932, %select_n3A_910, %select_n3A_908 : vector<128x1024xi1>, vector<128x1024xi32>
    %select_n3A_939 = arith.select %eq3A_932, %select_n3A_911, %select_n3A_909 : vector<128x1024xi1>, vector<128x1024xf32>
    %select_n3A_940 = arith.select %eq3A_932, %select_n3A_912, %select_n3A_910 : vector<128x1024xi1>, vector<128x1024xi32>
    %select_n3A_941 = arith.select %eq3A_932, %select_n3A_913, %select_n3A_911 : vector<128x1024xi1>, vector<128x1024xf32>
    %select_n3A_942 = arith.select %eq3A_932, %select_n3A_914, %select_n3A_912 : vector<128x1024xi1>, vector<128x1024xi32>
    %select_n3A_943 = arith.select %eq3A_932, %select_n3A_915, %select_n3A_913 : vector<128x1024xi1>, vector<128x1024xf32>
    %select_n3A_944 = arith.select %eq3A_932, %select_n3A_916, %select_n3A_914 : vector<128x1024xi1>, vector<128x1024xi32>
    %select_n3A_945 = arith.select %eq3A_932, %select_n3A_919, %select_n3A_915 : vector<128x1024xi1>, vector<128x1024xf32>
    %select_n3A_946 = arith.select %eq3A_932, %select_n3A_427, %select_n3A_916 : vector<128x1024xi1>, vector<128x1024xi32>
    %jit3A_947 = arith.constant 0x7F800000 : f32
    %broadcast_in_dim3A_948 = vector.broadcast %jit3A_947 : f32 to vector<128x1024xf32>
    %select_n3A_949 = arith.select %eq3A_932, %broadcast_in_dim3A_948, %select_n3A_919 : vector<128x1024xi1>, vector<128x1024xf32>
    %reduce_min3A_950 = arith.constant dense<0x7F800000> : vector<128xf32>
    %reduce_min3A_951 = vector.multi_reduction <minimumf>, %select_n3A_933, %reduce_min3A_950 [1] : vector<128x1024xf32> to vector<128xf32>
    %broadcast_in_dim3A_952 = vector.shape_cast %reduce_min3A_951 : vector<128xf32> to vector<128x1xf32>
    %eq3A_953 = vector.broadcast %broadcast_in_dim3A_952 : vector<128x1xf32> to vector<128x1024xf32>
    %eq3A_954 = arith.cmpf oeq, %select_n3A_933, %eq3A_953 : vector<128x1024xf32>
    %jit3A_955 = arith.constant 8192 : i32
    %broadcast_in_dim3A_956 = vector.broadcast %jit3A_955 : i32 to vector<128x1024xi32>
    %select_n3A_957 = arith.select %eq3A_954, %select_n3A_934, %broadcast_in_dim3A_956 : vector<128x1024xi1>, vector<128x1024xi32>
    %reduce_min3A_958 = arith.constant dense<2147483647> : vector<128xi32>
    %reduce_min3A_959 = vector.multi_reduction <minsi>, %select_n3A_957, %reduce_min3A_958 [1] : vector<128x1024xi32> to vector<128xi32>
    %broadcast_in_dim3A_960 = vector.shape_cast %reduce_min3A_959 : vector<128xi32> to vector<128x1xi32>
    %eq3A_961 = vector.broadcast %broadcast_in_dim3A_960 : vector<128x1xi32> to vector<128x1024xi32>
    %eq3A_962 = arith.cmpi eq, %select_n3A_934, %eq3A_961 : vector<128x1024xi32>
    %select_n3A_963 = arith.select %eq3A_962, %select_n3A_935, %select_n3A_933 : vector<128x1024xi1>, vector<128x1024xf32>
    %select_n3A_964 = arith.select %eq3A_962, %select_n3A_936, %select_n3A_934 : vector<128x1024xi1>, vector<128x1024xi32>
    %select_n3A_965 = arith.select %eq3A_962, %select_n3A_937, %select_n3A_935 : vector<128x1024xi1>, vector<128x1024xf32>
    %select_n3A_966 = arith.select %eq3A_962, %select_n3A_938, %select_n3A_936 : vector<128x1024xi1>, vector<128x1024xi32>
    %select_n3A_967 = arith.select %eq3A_962, %select_n3A_939, %select_n3A_937 : vector<128x1024xi1>, vector<128x1024xf32>
    %select_n3A_968 = arith.select %eq3A_962, %select_n3A_940, %select_n3A_938 : vector<128x1024xi1>, vector<128x1024xi32>
    %select_n3A_969 = arith.select %eq3A_962, %select_n3A_941, %select_n3A_939 : vector<128x1024xi1>, vector<128x1024xf32>
    %select_n3A_970 = arith.select %eq3A_962, %select_n3A_942, %select_n3A_940 : vector<128x1024xi1>, vector<128x1024xi32>
    %select_n3A_971 = arith.select %eq3A_962, %select_n3A_943, %select_n3A_941 : vector<128x1024xi1>, vector<128x1024xf32>
    %select_n3A_972 = arith.select %eq3A_962, %select_n3A_944, %select_n3A_942 : vector<128x1024xi1>, vector<128x1024xi32>
    %select_n3A_973 = arith.select %eq3A_962, %select_n3A_945, %select_n3A_943 : vector<128x1024xi1>, vector<128x1024xf32>
    %select_n3A_974 = arith.select %eq3A_962, %select_n3A_946, %select_n3A_944 : vector<128x1024xi1>, vector<128x1024xi32>
    %select_n3A_975 = arith.select %eq3A_962, %select_n3A_949, %select_n3A_945 : vector<128x1024xi1>, vector<128x1024xf32>
    %select_n3A_976 = arith.select %eq3A_962, %select_n3A_427, %select_n3A_946 : vector<128x1024xi1>, vector<128x1024xi32>
    %jit3A_977 = arith.constant 0x7F800000 : f32
    %broadcast_in_dim3A_978 = vector.broadcast %jit3A_977 : f32 to vector<128x1024xf32>
    %select_n3A_979 = arith.select %eq3A_962, %broadcast_in_dim3A_978, %select_n3A_949 : vector<128x1024xi1>, vector<128x1024xf32>
    %reduce_min3A_980 = arith.constant dense<0x7F800000> : vector<128xf32>
    %reduce_min3A_981 = vector.multi_reduction <minimumf>, %select_n3A_963, %reduce_min3A_980 [1] : vector<128x1024xf32> to vector<128xf32>
    %broadcast_in_dim3A_982 = vector.shape_cast %reduce_min3A_981 : vector<128xf32> to vector<128x1xf32>
    %eq3A_983 = vector.broadcast %broadcast_in_dim3A_982 : vector<128x1xf32> to vector<128x1024xf32>
    %eq3A_984 = arith.cmpf oeq, %select_n3A_963, %eq3A_983 : vector<128x1024xf32>
    %jit3A_985 = arith.constant 8192 : i32
    %broadcast_in_dim3A_986 = vector.broadcast %jit3A_985 : i32 to vector<128x1024xi32>
    %select_n3A_987 = arith.select %eq3A_984, %select_n3A_964, %broadcast_in_dim3A_986 : vector<128x1024xi1>, vector<128x1024xi32>
    %reduce_min3A_988 = arith.constant dense<2147483647> : vector<128xi32>
    %reduce_min3A_989 = vector.multi_reduction <minsi>, %select_n3A_987, %reduce_min3A_988 [1] : vector<128x1024xi32> to vector<128xi32>
    %broadcast_in_dim3A_990 = vector.shape_cast %reduce_min3A_989 : vector<128xi32> to vector<128x1xi32>
    %eq3A_991 = vector.broadcast %broadcast_in_dim3A_990 : vector<128x1xi32> to vector<128x1024xi32>
    %eq3A_992 = arith.cmpi eq, %select_n3A_964, %eq3A_991 : vector<128x1024xi32>
    %select_n3A_993 = arith.select %eq3A_992, %select_n3A_965, %select_n3A_963 : vector<128x1024xi1>, vector<128x1024xf32>
    %select_n3A_994 = arith.select %eq3A_992, %select_n3A_966, %select_n3A_964 : vector<128x1024xi1>, vector<128x1024xi32>
    %select_n3A_995 = arith.select %eq3A_992, %select_n3A_967, %select_n3A_965 : vector<128x1024xi1>, vector<128x1024xf32>
    %select_n3A_996 = arith.select %eq3A_992, %select_n3A_968, %select_n3A_966 : vector<128x1024xi1>, vector<128x1024xi32>
    %select_n3A_997 = arith.select %eq3A_992, %select_n3A_969, %select_n3A_967 : vector<128x1024xi1>, vector<128x1024xf32>
    %select_n3A_998 = arith.select %eq3A_992, %select_n3A_970, %select_n3A_968 : vector<128x1024xi1>, vector<128x1024xi32>
    %select_n3A_999 = arith.select %eq3A_992, %select_n3A_971, %select_n3A_969 : vector<128x1024xi1>, vector<128x1024xf32>
    %select_n3A_1000 = arith.select %eq3A_992, %select_n3A_972, %select_n3A_970 : vector<128x1024xi1>, vector<128x1024xi32>
    %select_n3A_1001 = arith.select %eq3A_992, %select_n3A_973, %select_n3A_971 : vector<128x1024xi1>, vector<128x1024xf32>
    %select_n3A_1002 = arith.select %eq3A_992, %select_n3A_974, %select_n3A_972 : vector<128x1024xi1>, vector<128x1024xi32>
    %select_n3A_1003 = arith.select %eq3A_992, %select_n3A_975, %select_n3A_973 : vector<128x1024xi1>, vector<128x1024xf32>
    %select_n3A_1004 = arith.select %eq3A_992, %select_n3A_976, %select_n3A_974 : vector<128x1024xi1>, vector<128x1024xi32>
    %select_n3A_1005 = arith.select %eq3A_992, %select_n3A_979, %select_n3A_975 : vector<128x1024xi1>, vector<128x1024xf32>
    %select_n3A_1006 = arith.select %eq3A_992, %select_n3A_427, %select_n3A_976 : vector<128x1024xi1>, vector<128x1024xi32>
    %jit3A_1007 = arith.constant 0x7F800000 : f32
    %broadcast_in_dim3A_1008 = vector.broadcast %jit3A_1007 : f32 to vector<128x1024xf32>
    %select_n3A_1009 = arith.select %eq3A_992, %broadcast_in_dim3A_1008, %select_n3A_979 : vector<128x1024xi1>, vector<128x1024xf32>
    %reduce_min3A_1010 = arith.constant dense<0x7F800000> : vector<128xf32>
    %reduce_min3A_1011 = vector.multi_reduction <minimumf>, %select_n3A_993, %reduce_min3A_1010 [1] : vector<128x1024xf32> to vector<128xf32>
    %broadcast_in_dim3A_1012 = vector.shape_cast %reduce_min3A_1011 : vector<128xf32> to vector<128x1xf32>
    %eq3A_1013 = vector.broadcast %broadcast_in_dim3A_1012 : vector<128x1xf32> to vector<128x1024xf32>
    %eq3A_1014 = arith.cmpf oeq, %select_n3A_993, %eq3A_1013 : vector<128x1024xf32>
    %jit3A_1015 = arith.constant 8192 : i32
    %broadcast_in_dim3A_1016 = vector.broadcast %jit3A_1015 : i32 to vector<128x1024xi32>
    %select_n3A_1017 = arith.select %eq3A_1014, %select_n3A_994, %broadcast_in_dim3A_1016 : vector<128x1024xi1>, vector<128x1024xi32>
    %reduce_min3A_1018 = arith.constant dense<2147483647> : vector<128xi32>
    %reduce_min3A_1019 = vector.multi_reduction <minsi>, %select_n3A_1017, %reduce_min3A_1018 [1] : vector<128x1024xi32> to vector<128xi32>
    %broadcast_in_dim3A_1020 = vector.shape_cast %reduce_min3A_1019 : vector<128xi32> to vector<128x1xi32>
    %eq3A_1021 = vector.broadcast %broadcast_in_dim3A_1020 : vector<128x1xi32> to vector<128x1024xi32>
    %eq3A_1022 = arith.cmpi eq, %select_n3A_994, %eq3A_1021 : vector<128x1024xi32>
    %select_n3A_1023 = arith.select %eq3A_1022, %select_n3A_995, %select_n3A_993 : vector<128x1024xi1>, vector<128x1024xf32>
    %select_n3A_1024 = arith.select %eq3A_1022, %select_n3A_996, %select_n3A_994 : vector<128x1024xi1>, vector<128x1024xi32>
    %select_n3A_1025 = arith.select %eq3A_1022, %select_n3A_997, %select_n3A_995 : vector<128x1024xi1>, vector<128x1024xf32>
    %select_n3A_1026 = arith.select %eq3A_1022, %select_n3A_998, %select_n3A_996 : vector<128x1024xi1>, vector<128x1024xi32>
    %select_n3A_1027 = arith.select %eq3A_1022, %select_n3A_999, %select_n3A_997 : vector<128x1024xi1>, vector<128x1024xf32>
    %select_n3A_1028 = arith.select %eq3A_1022, %select_n3A_1000, %select_n3A_998 : vector<128x1024xi1>, vector<128x1024xi32>
    %select_n3A_1029 = arith.select %eq3A_1022, %select_n3A_1001, %select_n3A_999 : vector<128x1024xi1>, vector<128x1024xf32>
    %select_n3A_1030 = arith.select %eq3A_1022, %select_n3A_1002, %select_n3A_1000 : vector<128x1024xi1>, vector<128x1024xi32>
    %select_n3A_1031 = arith.select %eq3A_1022, %select_n3A_1003, %select_n3A_1001 : vector<128x1024xi1>, vector<128x1024xf32>
    %select_n3A_1032 = arith.select %eq3A_1022, %select_n3A_1004, %select_n3A_1002 : vector<128x1024xi1>, vector<128x1024xi32>
    %select_n3A_1033 = arith.select %eq3A_1022, %select_n3A_1005, %select_n3A_1003 : vector<128x1024xi1>, vector<128x1024xf32>
    %select_n3A_1034 = arith.select %eq3A_1022, %select_n3A_1006, %select_n3A_1004 : vector<128x1024xi1>, vector<128x1024xi32>
    %select_n3A_1035 = arith.select %eq3A_1022, %select_n3A_1009, %select_n3A_1005 : vector<128x1024xi1>, vector<128x1024xf32>
    %select_n3A_1036 = arith.select %eq3A_1022, %select_n3A_427, %select_n3A_1006 : vector<128x1024xi1>, vector<128x1024xi32>
    %jit3A_1037 = arith.constant 0x7F800000 : f32
    %broadcast_in_dim3A_1038 = vector.broadcast %jit3A_1037 : f32 to vector<128x1024xf32>
    %select_n3A_1039 = arith.select %eq3A_1022, %broadcast_in_dim3A_1038, %select_n3A_1009 : vector<128x1024xi1>, vector<128x1024xf32>
    %reduce_min3A_1040 = arith.constant dense<0x7F800000> : vector<128xf32>
    %reduce_min3A_1041 = vector.multi_reduction <minimumf>, %select_n3A_1023, %reduce_min3A_1040 [1] : vector<128x1024xf32> to vector<128xf32>
    %broadcast_in_dim3A_1042 = vector.shape_cast %reduce_min3A_1041 : vector<128xf32> to vector<128x1xf32>
    %eq3A_1043 = vector.broadcast %broadcast_in_dim3A_1042 : vector<128x1xf32> to vector<128x1024xf32>
    %eq3A_1044 = arith.cmpf oeq, %select_n3A_1023, %eq3A_1043 : vector<128x1024xf32>
    %jit3A_1045 = arith.constant 8192 : i32
    %broadcast_in_dim3A_1046 = vector.broadcast %jit3A_1045 : i32 to vector<128x1024xi32>
    %select_n3A_1047 = arith.select %eq3A_1044, %select_n3A_1024, %broadcast_in_dim3A_1046 : vector<128x1024xi1>, vector<128x1024xi32>
    %reduce_min3A_1048 = arith.constant dense<2147483647> : vector<128xi32>
    %reduce_min3A_1049 = vector.multi_reduction <minsi>, %select_n3A_1047, %reduce_min3A_1048 [1] : vector<128x1024xi32> to vector<128xi32>
    %broadcast_in_dim3A_1050 = vector.shape_cast %reduce_min3A_1049 : vector<128xi32> to vector<128x1xi32>
    %eq3A_1051 = vector.broadcast %broadcast_in_dim3A_1050 : vector<128x1xi32> to vector<128x1024xi32>
    %eq3A_1052 = arith.cmpi eq, %select_n3A_1024, %eq3A_1051 : vector<128x1024xi32>
    %select_n3A_1053 = arith.select %eq3A_1052, %select_n3A_1025, %select_n3A_1023 : vector<128x1024xi1>, vector<128x1024xf32>
    %select_n3A_1054 = arith.select %eq3A_1052, %select_n3A_1026, %select_n3A_1024 : vector<128x1024xi1>, vector<128x1024xi32>
    %select_n3A_1055 = arith.select %eq3A_1052, %select_n3A_1027, %select_n3A_1025 : vector<128x1024xi1>, vector<128x1024xf32>
    %select_n3A_1056 = arith.select %eq3A_1052, %select_n3A_1028, %select_n3A_1026 : vector<128x1024xi1>, vector<128x1024xi32>
    %select_n3A_1057 = arith.select %eq3A_1052, %select_n3A_1029, %select_n3A_1027 : vector<128x1024xi1>, vector<128x1024xf32>
    %select_n3A_1058 = arith.select %eq3A_1052, %select_n3A_1030, %select_n3A_1028 : vector<128x1024xi1>, vector<128x1024xi32>
    %select_n3A_1059 = arith.select %eq3A_1052, %select_n3A_1031, %select_n3A_1029 : vector<128x1024xi1>, vector<128x1024xf32>
    %select_n3A_1060 = arith.select %eq3A_1052, %select_n3A_1032, %select_n3A_1030 : vector<128x1024xi1>, vector<128x1024xi32>
    %select_n3A_1061 = arith.select %eq3A_1052, %select_n3A_1033, %select_n3A_1031 : vector<128x1024xi1>, vector<128x1024xf32>
    %select_n3A_1062 = arith.select %eq3A_1052, %select_n3A_1034, %select_n3A_1032 : vector<128x1024xi1>, vector<128x1024xi32>
    %select_n3A_1063 = arith.select %eq3A_1052, %select_n3A_1035, %select_n3A_1033 : vector<128x1024xi1>, vector<128x1024xf32>
    %select_n3A_1064 = arith.select %eq3A_1052, %select_n3A_1036, %select_n3A_1034 : vector<128x1024xi1>, vector<128x1024xi32>
    %select_n3A_1065 = arith.select %eq3A_1052, %select_n3A_1039, %select_n3A_1035 : vector<128x1024xi1>, vector<128x1024xf32>
    %select_n3A_1066 = arith.select %eq3A_1052, %select_n3A_427, %select_n3A_1036 : vector<128x1024xi1>, vector<128x1024xi32>
    %jit3A_1067 = arith.constant 0x7F800000 : f32
    %broadcast_in_dim3A_1068 = vector.broadcast %jit3A_1067 : f32 to vector<128x1024xf32>
    %select_n3A_1069 = arith.select %eq3A_1052, %broadcast_in_dim3A_1068, %select_n3A_1039 : vector<128x1024xi1>, vector<128x1024xf32>
    %reduce_min3A_1070 = arith.constant dense<0x7F800000> : vector<128xf32>
    %reduce_min3A_1071 = vector.multi_reduction <minimumf>, %select_n3A_1053, %reduce_min3A_1070 [1] : vector<128x1024xf32> to vector<128xf32>
    %broadcast_in_dim3A_1072 = vector.shape_cast %reduce_min3A_1071 : vector<128xf32> to vector<128x1xf32>
    %eq3A_1073 = vector.broadcast %broadcast_in_dim3A_1072 : vector<128x1xf32> to vector<128x1024xf32>
    %eq3A_1074 = arith.cmpf oeq, %select_n3A_1053, %eq3A_1073 : vector<128x1024xf32>
    %jit3A_1075 = arith.constant 8192 : i32
    %broadcast_in_dim3A_1076 = vector.broadcast %jit3A_1075 : i32 to vector<128x1024xi32>
    %select_n3A_1077 = arith.select %eq3A_1074, %select_n3A_1054, %broadcast_in_dim3A_1076 : vector<128x1024xi1>, vector<128x1024xi32>
    %reduce_min3A_1078 = arith.constant dense<2147483647> : vector<128xi32>
    %reduce_min3A_1079 = vector.multi_reduction <minsi>, %select_n3A_1077, %reduce_min3A_1078 [1] : vector<128x1024xi32> to vector<128xi32>
    %broadcast_in_dim3A_1080 = vector.shape_cast %reduce_min3A_1079 : vector<128xi32> to vector<128x1xi32>
    %eq3A_1081 = vector.broadcast %broadcast_in_dim3A_1080 : vector<128x1xi32> to vector<128x1024xi32>
    %eq3A_1082 = arith.cmpi eq, %select_n3A_1054, %eq3A_1081 : vector<128x1024xi32>
    %select_n3A_1083 = arith.select %eq3A_1082, %select_n3A_1055, %select_n3A_1053 : vector<128x1024xi1>, vector<128x1024xf32>
    %select_n3A_1084 = arith.select %eq3A_1082, %select_n3A_1056, %select_n3A_1054 : vector<128x1024xi1>, vector<128x1024xi32>
    %select_n3A_1085 = arith.select %eq3A_1082, %select_n3A_1057, %select_n3A_1055 : vector<128x1024xi1>, vector<128x1024xf32>
    %select_n3A_1086 = arith.select %eq3A_1082, %select_n3A_1058, %select_n3A_1056 : vector<128x1024xi1>, vector<128x1024xi32>
    %select_n3A_1087 = arith.select %eq3A_1082, %select_n3A_1059, %select_n3A_1057 : vector<128x1024xi1>, vector<128x1024xf32>
    %select_n3A_1088 = arith.select %eq3A_1082, %select_n3A_1060, %select_n3A_1058 : vector<128x1024xi1>, vector<128x1024xi32>
    %select_n3A_1089 = arith.select %eq3A_1082, %select_n3A_1061, %select_n3A_1059 : vector<128x1024xi1>, vector<128x1024xf32>
    %select_n3A_1090 = arith.select %eq3A_1082, %select_n3A_1062, %select_n3A_1060 : vector<128x1024xi1>, vector<128x1024xi32>
    %select_n3A_1091 = arith.select %eq3A_1082, %select_n3A_1063, %select_n3A_1061 : vector<128x1024xi1>, vector<128x1024xf32>
    %select_n3A_1092 = arith.select %eq3A_1082, %select_n3A_1064, %select_n3A_1062 : vector<128x1024xi1>, vector<128x1024xi32>
    %select_n3A_1093 = arith.select %eq3A_1082, %select_n3A_1065, %select_n3A_1063 : vector<128x1024xi1>, vector<128x1024xf32>
    %select_n3A_1094 = arith.select %eq3A_1082, %select_n3A_1066, %select_n3A_1064 : vector<128x1024xi1>, vector<128x1024xi32>
    %select_n3A_1095 = arith.select %eq3A_1082, %select_n3A_1069, %select_n3A_1065 : vector<128x1024xi1>, vector<128x1024xf32>
    %select_n3A_1096 = arith.select %eq3A_1082, %select_n3A_427, %select_n3A_1066 : vector<128x1024xi1>, vector<128x1024xi32>
    %jit3A_1097 = arith.constant 0x7F800000 : f32
    %broadcast_in_dim3A_1098 = vector.broadcast %jit3A_1097 : f32 to vector<128x1024xf32>
    %select_n3A_1099 = arith.select %eq3A_1082, %broadcast_in_dim3A_1098, %select_n3A_1069 : vector<128x1024xi1>, vector<128x1024xf32>
    %reduce_min3A_1100 = arith.constant dense<0x7F800000> : vector<128xf32>
    %reduce_min3A_1101 = vector.multi_reduction <minimumf>, %select_n3A_1083, %reduce_min3A_1100 [1] : vector<128x1024xf32> to vector<128xf32>
    %broadcast_in_dim3A_1102 = vector.shape_cast %reduce_min3A_1101 : vector<128xf32> to vector<128x1xf32>
    %eq3A_1103 = vector.broadcast %broadcast_in_dim3A_1102 : vector<128x1xf32> to vector<128x1024xf32>
    %eq3A_1104 = arith.cmpf oeq, %select_n3A_1083, %eq3A_1103 : vector<128x1024xf32>
    %jit3A_1105 = arith.constant 8192 : i32
    %broadcast_in_dim3A_1106 = vector.broadcast %jit3A_1105 : i32 to vector<128x1024xi32>
    %select_n3A_1107 = arith.select %eq3A_1104, %select_n3A_1084, %broadcast_in_dim3A_1106 : vector<128x1024xi1>, vector<128x1024xi32>
    %reduce_min3A_1108 = arith.constant dense<2147483647> : vector<128xi32>
    %reduce_min3A_1109 = vector.multi_reduction <minsi>, %select_n3A_1107, %reduce_min3A_1108 [1] : vector<128x1024xi32> to vector<128xi32>
    %broadcast_in_dim3A_1110 = vector.shape_cast %reduce_min3A_1109 : vector<128xi32> to vector<128x1xi32>
    %eq3A_1111 = vector.broadcast %broadcast_in_dim3A_1110 : vector<128x1xi32> to vector<128x1024xi32>
    %eq3A_1112 = arith.cmpi eq, %select_n3A_1084, %eq3A_1111 : vector<128x1024xi32>
    %select_n3A_1113 = arith.select %eq3A_1112, %select_n3A_1085, %select_n3A_1083 : vector<128x1024xi1>, vector<128x1024xf32>
    %select_n3A_1114 = arith.select %eq3A_1112, %select_n3A_1086, %select_n3A_1084 : vector<128x1024xi1>, vector<128x1024xi32>
    %select_n3A_1115 = arith.select %eq3A_1112, %select_n3A_1087, %select_n3A_1085 : vector<128x1024xi1>, vector<128x1024xf32>
    %select_n3A_1116 = arith.select %eq3A_1112, %select_n3A_1088, %select_n3A_1086 : vector<128x1024xi1>, vector<128x1024xi32>
    %select_n3A_1117 = arith.select %eq3A_1112, %select_n3A_1089, %select_n3A_1087 : vector<128x1024xi1>, vector<128x1024xf32>
    %select_n3A_1118 = arith.select %eq3A_1112, %select_n3A_1090, %select_n3A_1088 : vector<128x1024xi1>, vector<128x1024xi32>
    %select_n3A_1119 = arith.select %eq3A_1112, %select_n3A_1091, %select_n3A_1089 : vector<128x1024xi1>, vector<128x1024xf32>
    %select_n3A_1120 = arith.select %eq3A_1112, %select_n3A_1092, %select_n3A_1090 : vector<128x1024xi1>, vector<128x1024xi32>
    %select_n3A_1121 = arith.select %eq3A_1112, %select_n3A_1093, %select_n3A_1091 : vector<128x1024xi1>, vector<128x1024xf32>
    %select_n3A_1122 = arith.select %eq3A_1112, %select_n3A_1094, %select_n3A_1092 : vector<128x1024xi1>, vector<128x1024xi32>
    %select_n3A_1123 = arith.select %eq3A_1112, %select_n3A_1095, %select_n3A_1093 : vector<128x1024xi1>, vector<128x1024xf32>
    %select_n3A_1124 = arith.select %eq3A_1112, %select_n3A_1096, %select_n3A_1094 : vector<128x1024xi1>, vector<128x1024xi32>
    %select_n3A_1125 = arith.select %eq3A_1112, %select_n3A_1099, %select_n3A_1095 : vector<128x1024xi1>, vector<128x1024xf32>
    %select_n3A_1126 = arith.select %eq3A_1112, %select_n3A_427, %select_n3A_1096 : vector<128x1024xi1>, vector<128x1024xi32>
    %jit3A_1127 = arith.constant 0x7F800000 : f32
    %broadcast_in_dim3A_1128 = vector.broadcast %jit3A_1127 : f32 to vector<128x1024xf32>
    %select_n3A_1129 = arith.select %eq3A_1112, %broadcast_in_dim3A_1128, %select_n3A_1099 : vector<128x1024xi1>, vector<128x1024xf32>
    %reduce_min3A_1130 = arith.constant dense<0x7F800000> : vector<128xf32>
    %reduce_min3A_1131 = vector.multi_reduction <minimumf>, %select_n3A_1113, %reduce_min3A_1130 [1] : vector<128x1024xf32> to vector<128xf32>
    %broadcast_in_dim3A_1132 = vector.shape_cast %reduce_min3A_1131 : vector<128xf32> to vector<128x1xf32>
    %eq3A_1133 = vector.broadcast %broadcast_in_dim3A_1132 : vector<128x1xf32> to vector<128x1024xf32>
    %eq3A_1134 = arith.cmpf oeq, %select_n3A_1113, %eq3A_1133 : vector<128x1024xf32>
    %jit3A_1135 = arith.constant 8192 : i32
    %broadcast_in_dim3A_1136 = vector.broadcast %jit3A_1135 : i32 to vector<128x1024xi32>
    %select_n3A_1137 = arith.select %eq3A_1134, %select_n3A_1114, %broadcast_in_dim3A_1136 : vector<128x1024xi1>, vector<128x1024xi32>
    %reduce_min3A_1138 = arith.constant dense<2147483647> : vector<128xi32>
    %reduce_min3A_1139 = vector.multi_reduction <minsi>, %select_n3A_1137, %reduce_min3A_1138 [1] : vector<128x1024xi32> to vector<128xi32>
    %broadcast_in_dim3A_1140 = vector.shape_cast %reduce_min3A_1139 : vector<128xi32> to vector<128x1xi32>
    %eq3A_1141 = vector.broadcast %broadcast_in_dim3A_1140 : vector<128x1xi32> to vector<128x1024xi32>
    %eq3A_1142 = arith.cmpi eq, %select_n3A_1114, %eq3A_1141 : vector<128x1024xi32>
    %select_n3A_1143 = arith.select %eq3A_1142, %select_n3A_1115, %select_n3A_1113 : vector<128x1024xi1>, vector<128x1024xf32>
    %select_n3A_1144 = arith.select %eq3A_1142, %select_n3A_1116, %select_n3A_1114 : vector<128x1024xi1>, vector<128x1024xi32>
    %select_n3A_1145 = arith.select %eq3A_1142, %select_n3A_1117, %select_n3A_1115 : vector<128x1024xi1>, vector<128x1024xf32>
    %select_n3A_1146 = arith.select %eq3A_1142, %select_n3A_1118, %select_n3A_1116 : vector<128x1024xi1>, vector<128x1024xi32>
    %select_n3A_1147 = arith.select %eq3A_1142, %select_n3A_1119, %select_n3A_1117 : vector<128x1024xi1>, vector<128x1024xf32>
    %select_n3A_1148 = arith.select %eq3A_1142, %select_n3A_1120, %select_n3A_1118 : vector<128x1024xi1>, vector<128x1024xi32>
    %select_n3A_1149 = arith.select %eq3A_1142, %select_n3A_1121, %select_n3A_1119 : vector<128x1024xi1>, vector<128x1024xf32>
    %select_n3A_1150 = arith.select %eq3A_1142, %select_n3A_1122, %select_n3A_1120 : vector<128x1024xi1>, vector<128x1024xi32>
    %select_n3A_1151 = arith.select %eq3A_1142, %select_n3A_1123, %select_n3A_1121 : vector<128x1024xi1>, vector<128x1024xf32>
    %select_n3A_1152 = arith.select %eq3A_1142, %select_n3A_1124, %select_n3A_1122 : vector<128x1024xi1>, vector<128x1024xi32>
    %select_n3A_1153 = arith.select %eq3A_1142, %select_n3A_1125, %select_n3A_1123 : vector<128x1024xi1>, vector<128x1024xf32>
    %select_n3A_1154 = arith.select %eq3A_1142, %select_n3A_1126, %select_n3A_1124 : vector<128x1024xi1>, vector<128x1024xi32>
    %select_n3A_1155 = arith.select %eq3A_1142, %select_n3A_1129, %select_n3A_1125 : vector<128x1024xi1>, vector<128x1024xf32>
    %select_n3A_1156 = arith.select %eq3A_1142, %select_n3A_427, %select_n3A_1126 : vector<128x1024xi1>, vector<128x1024xi32>
    %jit3A_1157 = arith.constant 0x7F800000 : f32
    %broadcast_in_dim3A_1158 = vector.broadcast %jit3A_1157 : f32 to vector<128x1024xf32>
    %select_n3A_1159 = arith.select %eq3A_1142, %broadcast_in_dim3A_1158, %select_n3A_1129 : vector<128x1024xi1>, vector<128x1024xf32>
    %reduce_min3A_1160 = arith.constant dense<0x7F800000> : vector<128xf32>
    %reduce_min3A_1161 = vector.multi_reduction <minimumf>, %select_n3A_1143, %reduce_min3A_1160 [1] : vector<128x1024xf32> to vector<128xf32>
    %broadcast_in_dim3A_1162 = vector.shape_cast %reduce_min3A_1161 : vector<128xf32> to vector<128x1xf32>
    %eq3A_1163 = vector.broadcast %broadcast_in_dim3A_1162 : vector<128x1xf32> to vector<128x1024xf32>
    %eq3A_1164 = arith.cmpf oeq, %select_n3A_1143, %eq3A_1163 : vector<128x1024xf32>
    %jit3A_1165 = arith.constant 8192 : i32
    %broadcast_in_dim3A_1166 = vector.broadcast %jit3A_1165 : i32 to vector<128x1024xi32>
    %select_n3A_1167 = arith.select %eq3A_1164, %select_n3A_1144, %broadcast_in_dim3A_1166 : vector<128x1024xi1>, vector<128x1024xi32>
    %reduce_min3A_1168 = arith.constant dense<2147483647> : vector<128xi32>
    %reduce_min3A_1169 = vector.multi_reduction <minsi>, %select_n3A_1167, %reduce_min3A_1168 [1] : vector<128x1024xi32> to vector<128xi32>
    %broadcast_in_dim3A_1170 = vector.shape_cast %reduce_min3A_1169 : vector<128xi32> to vector<128x1xi32>
    %eq3A_1171 = vector.broadcast %broadcast_in_dim3A_1170 : vector<128x1xi32> to vector<128x1024xi32>
    %eq3A_1172 = arith.cmpi eq, %select_n3A_1144, %eq3A_1171 : vector<128x1024xi32>
    %select_n3A_1173 = arith.select %eq3A_1172, %select_n3A_1145, %select_n3A_1143 : vector<128x1024xi1>, vector<128x1024xf32>
    %select_n3A_1174 = arith.select %eq3A_1172, %select_n3A_1146, %select_n3A_1144 : vector<128x1024xi1>, vector<128x1024xi32>
    %select_n3A_1175 = arith.select %eq3A_1172, %select_n3A_1147, %select_n3A_1145 : vector<128x1024xi1>, vector<128x1024xf32>
    %select_n3A_1176 = arith.select %eq3A_1172, %select_n3A_1148, %select_n3A_1146 : vector<128x1024xi1>, vector<128x1024xi32>
    %select_n3A_1177 = arith.select %eq3A_1172, %select_n3A_1149, %select_n3A_1147 : vector<128x1024xi1>, vector<128x1024xf32>
    %select_n3A_1178 = arith.select %eq3A_1172, %select_n3A_1150, %select_n3A_1148 : vector<128x1024xi1>, vector<128x1024xi32>
    %select_n3A_1179 = arith.select %eq3A_1172, %select_n3A_1151, %select_n3A_1149 : vector<128x1024xi1>, vector<128x1024xf32>
    %select_n3A_1180 = arith.select %eq3A_1172, %select_n3A_1152, %select_n3A_1150 : vector<128x1024xi1>, vector<128x1024xi32>
    %select_n3A_1181 = arith.select %eq3A_1172, %select_n3A_1153, %select_n3A_1151 : vector<128x1024xi1>, vector<128x1024xf32>
    %select_n3A_1182 = arith.select %eq3A_1172, %select_n3A_1154, %select_n3A_1152 : vector<128x1024xi1>, vector<128x1024xi32>
    %select_n3A_1183 = arith.select %eq3A_1172, %select_n3A_1155, %select_n3A_1153 : vector<128x1024xi1>, vector<128x1024xf32>
    %select_n3A_1184 = arith.select %eq3A_1172, %select_n3A_1156, %select_n3A_1154 : vector<128x1024xi1>, vector<128x1024xi32>
    %select_n3A_1185 = arith.select %eq3A_1172, %select_n3A_1159, %select_n3A_1155 : vector<128x1024xi1>, vector<128x1024xf32>
    %select_n3A_1186 = arith.select %eq3A_1172, %select_n3A_427, %select_n3A_1156 : vector<128x1024xi1>, vector<128x1024xi32>
    %jit3A_1187 = arith.constant 0x7F800000 : f32
    %broadcast_in_dim3A_1188 = vector.broadcast %jit3A_1187 : f32 to vector<128x1024xf32>
    %select_n3A_1189 = arith.select %eq3A_1172, %broadcast_in_dim3A_1188, %select_n3A_1159 : vector<128x1024xi1>, vector<128x1024xf32>
    %reduce_min3A_1190 = arith.constant dense<0x7F800000> : vector<128xf32>
    %reduce_min3A_1191 = vector.multi_reduction <minimumf>, %select_n3A_1173, %reduce_min3A_1190 [1] : vector<128x1024xf32> to vector<128xf32>
    %broadcast_in_dim3A_1192 = vector.shape_cast %reduce_min3A_1191 : vector<128xf32> to vector<128x1xf32>
    %eq3A_1193 = vector.broadcast %broadcast_in_dim3A_1192 : vector<128x1xf32> to vector<128x1024xf32>
    %eq3A_1194 = arith.cmpf oeq, %select_n3A_1173, %eq3A_1193 : vector<128x1024xf32>
    %jit3A_1195 = arith.constant 8192 : i32
    %broadcast_in_dim3A_1196 = vector.broadcast %jit3A_1195 : i32 to vector<128x1024xi32>
    %select_n3A_1197 = arith.select %eq3A_1194, %select_n3A_1174, %broadcast_in_dim3A_1196 : vector<128x1024xi1>, vector<128x1024xi32>
    %reduce_min3A_1198 = arith.constant dense<2147483647> : vector<128xi32>
    %reduce_min3A_1199 = vector.multi_reduction <minsi>, %select_n3A_1197, %reduce_min3A_1198 [1] : vector<128x1024xi32> to vector<128xi32>
    %broadcast_in_dim3A_1200 = vector.shape_cast %reduce_min3A_1199 : vector<128xi32> to vector<128x1xi32>
    %eq3A_1201 = vector.broadcast %broadcast_in_dim3A_1200 : vector<128x1xi32> to vector<128x1024xi32>
    %eq3A_1202 = arith.cmpi eq, %select_n3A_1174, %eq3A_1201 : vector<128x1024xi32>
    %select_n3A_1203 = arith.select %eq3A_1202, %select_n3A_1175, %select_n3A_1173 : vector<128x1024xi1>, vector<128x1024xf32>
    %select_n3A_1204 = arith.select %eq3A_1202, %select_n3A_1176, %select_n3A_1174 : vector<128x1024xi1>, vector<128x1024xi32>
    %select_n3A_1205 = arith.select %eq3A_1202, %select_n3A_1177, %select_n3A_1175 : vector<128x1024xi1>, vector<128x1024xf32>
    %select_n3A_1206 = arith.select %eq3A_1202, %select_n3A_1178, %select_n3A_1176 : vector<128x1024xi1>, vector<128x1024xi32>
    %select_n3A_1207 = arith.select %eq3A_1202, %select_n3A_1179, %select_n3A_1177 : vector<128x1024xi1>, vector<128x1024xf32>
    %select_n3A_1208 = arith.select %eq3A_1202, %select_n3A_1180, %select_n3A_1178 : vector<128x1024xi1>, vector<128x1024xi32>
    %select_n3A_1209 = arith.select %eq3A_1202, %select_n3A_1181, %select_n3A_1179 : vector<128x1024xi1>, vector<128x1024xf32>
    %select_n3A_1210 = arith.select %eq3A_1202, %select_n3A_1182, %select_n3A_1180 : vector<128x1024xi1>, vector<128x1024xi32>
    %select_n3A_1211 = arith.select %eq3A_1202, %select_n3A_1183, %select_n3A_1181 : vector<128x1024xi1>, vector<128x1024xf32>
    %select_n3A_1212 = arith.select %eq3A_1202, %select_n3A_1184, %select_n3A_1182 : vector<128x1024xi1>, vector<128x1024xi32>
    %select_n3A_1213 = arith.select %eq3A_1202, %select_n3A_1185, %select_n3A_1183 : vector<128x1024xi1>, vector<128x1024xf32>
    %select_n3A_1214 = arith.select %eq3A_1202, %select_n3A_1186, %select_n3A_1184 : vector<128x1024xi1>, vector<128x1024xi32>
    %select_n3A_1215 = arith.select %eq3A_1202, %select_n3A_1189, %select_n3A_1185 : vector<128x1024xi1>, vector<128x1024xf32>
    %select_n3A_1216 = arith.select %eq3A_1202, %select_n3A_427, %select_n3A_1186 : vector<128x1024xi1>, vector<128x1024xi32>
    %reduce_min3A_1217 = arith.constant dense<0x7F800000> : vector<128xf32>
    %reduce_min3A_1218 = vector.multi_reduction <minimumf>, %select_n3A_1203, %reduce_min3A_1217 [1] : vector<128x1024xf32> to vector<128xf32>
    %broadcast_in_dim3A_1219 = vector.shape_cast %reduce_min3A_1218 : vector<128xf32> to vector<128x1xf32>
    %eq3A_1220 = vector.broadcast %broadcast_in_dim3A_1219 : vector<128x1xf32> to vector<128x1024xf32>
    %eq3A_1221 = arith.cmpf oeq, %select_n3A_1203, %eq3A_1220 : vector<128x1024xf32>
    %jit3A_1222 = arith.constant 8192 : i32
    %broadcast_in_dim3A_1223 = vector.broadcast %jit3A_1222 : i32 to vector<128x1024xi32>
    %select_n3A_1224 = arith.select %eq3A_1221, %select_n3A_1204, %broadcast_in_dim3A_1223 : vector<128x1024xi1>, vector<128x1024xi32>
    %reduce_min3A_1225 = arith.constant dense<2147483647> : vector<128xi32>
    %reduce_min3A_1226 = vector.multi_reduction <minsi>, %select_n3A_1224, %reduce_min3A_1225 [1] : vector<128x1024xi32> to vector<128xi32>
    %broadcast_in_dim3A_1227 = vector.shape_cast %reduce_min3A_1226 : vector<128xi32> to vector<128x1xi32>
    %eq3A_1228 = vector.broadcast %broadcast_in_dim3A_1227 : vector<128x1xi32> to vector<128x1024xi32>
    %eq3A_1229 = arith.cmpi eq, %select_n3A_1204, %eq3A_1228 : vector<128x1024xi32>
    %select_n3A_1230 = arith.select %eq3A_1229, %select_n3A_1205, %select_n3A_1203 : vector<128x1024xi1>, vector<128x1024xf32>
    %select_n3A_1231 = arith.select %eq3A_1229, %select_n3A_1206, %select_n3A_1204 : vector<128x1024xi1>, vector<128x1024xi32>
    %select_n3A_1232 = arith.select %eq3A_1229, %select_n3A_1207, %select_n3A_1205 : vector<128x1024xi1>, vector<128x1024xf32>
    %select_n3A_1233 = arith.select %eq3A_1229, %select_n3A_1208, %select_n3A_1206 : vector<128x1024xi1>, vector<128x1024xi32>
    %select_n3A_1234 = arith.select %eq3A_1229, %select_n3A_1209, %select_n3A_1207 : vector<128x1024xi1>, vector<128x1024xf32>
    %select_n3A_1235 = arith.select %eq3A_1229, %select_n3A_1210, %select_n3A_1208 : vector<128x1024xi1>, vector<128x1024xi32>
    %select_n3A_1236 = arith.select %eq3A_1229, %select_n3A_1211, %select_n3A_1209 : vector<128x1024xi1>, vector<128x1024xf32>
    %select_n3A_1237 = arith.select %eq3A_1229, %select_n3A_1212, %select_n3A_1210 : vector<128x1024xi1>, vector<128x1024xi32>
    %select_n3A_1238 = arith.select %eq3A_1229, %select_n3A_1213, %select_n3A_1211 : vector<128x1024xi1>, vector<128x1024xf32>
    %select_n3A_1239 = arith.select %eq3A_1229, %select_n3A_1214, %select_n3A_1212 : vector<128x1024xi1>, vector<128x1024xi32>
    %select_n3A_1240 = arith.select %eq3A_1229, %select_n3A_1215, %select_n3A_1213 : vector<128x1024xi1>, vector<128x1024xf32>
    %select_n3A_1241 = arith.select %eq3A_1229, %select_n3A_1216, %select_n3A_1214 : vector<128x1024xi1>, vector<128x1024xi32>
    %reduce_min3A_1242 = arith.constant dense<0x7F800000> : vector<128xf32>
    %reduce_min3A_1243 = vector.multi_reduction <minimumf>, %select_n3A_1230, %reduce_min3A_1242 [1] : vector<128x1024xf32> to vector<128xf32>
    %broadcast_in_dim3A_1244 = vector.shape_cast %reduce_min3A_1243 : vector<128xf32> to vector<128x1xf32>
    %eq3A_1245 = vector.broadcast %broadcast_in_dim3A_1244 : vector<128x1xf32> to vector<128x1024xf32>
    %eq3A_1246 = arith.cmpf oeq, %select_n3A_1230, %eq3A_1245 : vector<128x1024xf32>
    %jit3A_1247 = arith.constant 8192 : i32
    %broadcast_in_dim3A_1248 = vector.broadcast %jit3A_1247 : i32 to vector<128x1024xi32>
    %select_n3A_1249 = arith.select %eq3A_1246, %select_n3A_1231, %broadcast_in_dim3A_1248 : vector<128x1024xi1>, vector<128x1024xi32>
    %reduce_min3A_1250 = arith.constant dense<2147483647> : vector<128xi32>
    %reduce_min3A_1251 = vector.multi_reduction <minsi>, %select_n3A_1249, %reduce_min3A_1250 [1] : vector<128x1024xi32> to vector<128xi32>
    %broadcast_in_dim3A_1252 = vector.shape_cast %reduce_min3A_1251 : vector<128xi32> to vector<128x1xi32>
    %eq3A_1253 = vector.broadcast %broadcast_in_dim3A_1252 : vector<128x1xi32> to vector<128x1024xi32>
    %eq3A_1254 = arith.cmpi eq, %select_n3A_1231, %eq3A_1253 : vector<128x1024xi32>
    %select_n3A_1255 = arith.select %eq3A_1254, %select_n3A_1232, %select_n3A_1230 : vector<128x1024xi1>, vector<128x1024xf32>
    %select_n3A_1256 = arith.select %eq3A_1254, %select_n3A_1233, %select_n3A_1231 : vector<128x1024xi1>, vector<128x1024xi32>
    %select_n3A_1257 = arith.select %eq3A_1254, %select_n3A_1234, %select_n3A_1232 : vector<128x1024xi1>, vector<128x1024xf32>
    %select_n3A_1258 = arith.select %eq3A_1254, %select_n3A_1235, %select_n3A_1233 : vector<128x1024xi1>, vector<128x1024xi32>
    %select_n3A_1259 = arith.select %eq3A_1254, %select_n3A_1236, %select_n3A_1234 : vector<128x1024xi1>, vector<128x1024xf32>
    %select_n3A_1260 = arith.select %eq3A_1254, %select_n3A_1237, %select_n3A_1235 : vector<128x1024xi1>, vector<128x1024xi32>
    %select_n3A_1261 = arith.select %eq3A_1254, %select_n3A_1238, %select_n3A_1236 : vector<128x1024xi1>, vector<128x1024xf32>
    %select_n3A_1262 = arith.select %eq3A_1254, %select_n3A_1239, %select_n3A_1237 : vector<128x1024xi1>, vector<128x1024xi32>
    %select_n3A_1263 = arith.select %eq3A_1254, %select_n3A_1240, %select_n3A_1238 : vector<128x1024xi1>, vector<128x1024xf32>
    %select_n3A_1264 = arith.select %eq3A_1254, %select_n3A_1241, %select_n3A_1239 : vector<128x1024xi1>, vector<128x1024xi32>
    %reduce_min3A_1265 = arith.constant dense<0x7F800000> : vector<128xf32>
    %reduce_min3A_1266 = vector.multi_reduction <minimumf>, %select_n3A_1255, %reduce_min3A_1265 [1] : vector<128x1024xf32> to vector<128xf32>
    %broadcast_in_dim3A_1267 = vector.shape_cast %reduce_min3A_1266 : vector<128xf32> to vector<128x1xf32>
    %eq3A_1268 = vector.broadcast %broadcast_in_dim3A_1267 : vector<128x1xf32> to vector<128x1024xf32>
    %eq3A_1269 = arith.cmpf oeq, %select_n3A_1255, %eq3A_1268 : vector<128x1024xf32>
    %jit3A_1270 = arith.constant 8192 : i32
    %broadcast_in_dim3A_1271 = vector.broadcast %jit3A_1270 : i32 to vector<128x1024xi32>
    %select_n3A_1272 = arith.select %eq3A_1269, %select_n3A_1256, %broadcast_in_dim3A_1271 : vector<128x1024xi1>, vector<128x1024xi32>
    %reduce_min3A_1273 = arith.constant dense<2147483647> : vector<128xi32>
    %reduce_min3A_1274 = vector.multi_reduction <minsi>, %select_n3A_1272, %reduce_min3A_1273 [1] : vector<128x1024xi32> to vector<128xi32>
    %broadcast_in_dim3A_1275 = vector.shape_cast %reduce_min3A_1274 : vector<128xi32> to vector<128x1xi32>
    %eq3A_1276 = vector.broadcast %broadcast_in_dim3A_1275 : vector<128x1xi32> to vector<128x1024xi32>
    %eq3A_1277 = arith.cmpi eq, %select_n3A_1256, %eq3A_1276 : vector<128x1024xi32>
    %select_n3A_1278 = arith.select %eq3A_1277, %select_n3A_1257, %select_n3A_1255 : vector<128x1024xi1>, vector<128x1024xf32>
    %select_n3A_1279 = arith.select %eq3A_1277, %select_n3A_1258, %select_n3A_1256 : vector<128x1024xi1>, vector<128x1024xi32>
    %select_n3A_1280 = arith.select %eq3A_1277, %select_n3A_1259, %select_n3A_1257 : vector<128x1024xi1>, vector<128x1024xf32>
    %select_n3A_1281 = arith.select %eq3A_1277, %select_n3A_1260, %select_n3A_1258 : vector<128x1024xi1>, vector<128x1024xi32>
    %select_n3A_1282 = arith.select %eq3A_1277, %select_n3A_1261, %select_n3A_1259 : vector<128x1024xi1>, vector<128x1024xf32>
    %select_n3A_1283 = arith.select %eq3A_1277, %select_n3A_1262, %select_n3A_1260 : vector<128x1024xi1>, vector<128x1024xi32>
    %select_n3A_1284 = arith.select %eq3A_1277, %select_n3A_1263, %select_n3A_1261 : vector<128x1024xi1>, vector<128x1024xf32>
    %select_n3A_1285 = arith.select %eq3A_1277, %select_n3A_1264, %select_n3A_1262 : vector<128x1024xi1>, vector<128x1024xi32>
    %reduce_min3A_1286 = arith.constant dense<0x7F800000> : vector<128xf32>
    %reduce_min3A_1287 = vector.multi_reduction <minimumf>, %select_n3A_1278, %reduce_min3A_1286 [1] : vector<128x1024xf32> to vector<128xf32>
    %broadcast_in_dim3A_1288 = vector.shape_cast %reduce_min3A_1287 : vector<128xf32> to vector<128x1xf32>
    %eq3A_1289 = vector.broadcast %broadcast_in_dim3A_1288 : vector<128x1xf32> to vector<128x1024xf32>
    %eq3A_1290 = arith.cmpf oeq, %select_n3A_1278, %eq3A_1289 : vector<128x1024xf32>
    %jit3A_1291 = arith.constant 8192 : i32
    %broadcast_in_dim3A_1292 = vector.broadcast %jit3A_1291 : i32 to vector<128x1024xi32>
    %select_n3A_1293 = arith.select %eq3A_1290, %select_n3A_1279, %broadcast_in_dim3A_1292 : vector<128x1024xi1>, vector<128x1024xi32>
    %reduce_min3A_1294 = arith.constant dense<2147483647> : vector<128xi32>
    %reduce_min3A_1295 = vector.multi_reduction <minsi>, %select_n3A_1293, %reduce_min3A_1294 [1] : vector<128x1024xi32> to vector<128xi32>
    %broadcast_in_dim3A_1296 = vector.shape_cast %reduce_min3A_1295 : vector<128xi32> to vector<128x1xi32>
    %eq3A_1297 = vector.broadcast %broadcast_in_dim3A_1296 : vector<128x1xi32> to vector<128x1024xi32>
    %eq3A_1298 = arith.cmpi eq, %select_n3A_1279, %eq3A_1297 : vector<128x1024xi32>
    %select_n3A_1299 = arith.select %eq3A_1298, %select_n3A_1280, %select_n3A_1278 : vector<128x1024xi1>, vector<128x1024xf32>
    %select_n3A_1300 = arith.select %eq3A_1298, %select_n3A_1281, %select_n3A_1279 : vector<128x1024xi1>, vector<128x1024xi32>
    %select_n3A_1301 = arith.select %eq3A_1298, %select_n3A_1282, %select_n3A_1280 : vector<128x1024xi1>, vector<128x1024xf32>
    %select_n3A_1302 = arith.select %eq3A_1298, %select_n3A_1283, %select_n3A_1281 : vector<128x1024xi1>, vector<128x1024xi32>
    %select_n3A_1303 = arith.select %eq3A_1298, %select_n3A_1284, %select_n3A_1282 : vector<128x1024xi1>, vector<128x1024xf32>
    %select_n3A_1304 = arith.select %eq3A_1298, %select_n3A_1285, %select_n3A_1283 : vector<128x1024xi1>, vector<128x1024xi32>
    %reduce_min3A_1305 = arith.constant dense<0x7F800000> : vector<128xf32>
    %reduce_min3A_1306 = vector.multi_reduction <minimumf>, %select_n3A_1299, %reduce_min3A_1305 [1] : vector<128x1024xf32> to vector<128xf32>
    %broadcast_in_dim3A_1307 = vector.shape_cast %reduce_min3A_1306 : vector<128xf32> to vector<128x1xf32>
    %eq3A_1308 = vector.broadcast %broadcast_in_dim3A_1307 : vector<128x1xf32> to vector<128x1024xf32>
    %eq3A_1309 = arith.cmpf oeq, %select_n3A_1299, %eq3A_1308 : vector<128x1024xf32>
    %jit3A_1310 = arith.constant 8192 : i32
    %broadcast_in_dim3A_1311 = vector.broadcast %jit3A_1310 : i32 to vector<128x1024xi32>
    %select_n3A_1312 = arith.select %eq3A_1309, %select_n3A_1300, %broadcast_in_dim3A_1311 : vector<128x1024xi1>, vector<128x1024xi32>
    %reduce_min3A_1313 = arith.constant dense<2147483647> : vector<128xi32>
    %reduce_min3A_1314 = vector.multi_reduction <minsi>, %select_n3A_1312, %reduce_min3A_1313 [1] : vector<128x1024xi32> to vector<128xi32>
    %broadcast_in_dim3A_1315 = vector.shape_cast %reduce_min3A_1314 : vector<128xi32> to vector<128x1xi32>
    %eq3A_1316 = vector.broadcast %broadcast_in_dim3A_1315 : vector<128x1xi32> to vector<128x1024xi32>
    %eq3A_1317 = arith.cmpi eq, %select_n3A_1300, %eq3A_1316 : vector<128x1024xi32>
    %select_n3A_1318 = arith.select %eq3A_1317, %select_n3A_1301, %select_n3A_1299 : vector<128x1024xi1>, vector<128x1024xf32>
    %select_n3A_1319 = arith.select %eq3A_1317, %select_n3A_1302, %select_n3A_1300 : vector<128x1024xi1>, vector<128x1024xi32>
    %select_n3A_1320 = arith.select %eq3A_1317, %select_n3A_1303, %select_n3A_1301 : vector<128x1024xi1>, vector<128x1024xf32>
    %select_n3A_1321 = arith.select %eq3A_1317, %select_n3A_1304, %select_n3A_1302 : vector<128x1024xi1>, vector<128x1024xi32>
    %reduce_min3A_1322 = arith.constant dense<0x7F800000> : vector<128xf32>
    %reduce_min3A_1323 = vector.multi_reduction <minimumf>, %select_n3A_1318, %reduce_min3A_1322 [1] : vector<128x1024xf32> to vector<128xf32>
    %broadcast_in_dim3A_1324 = vector.shape_cast %reduce_min3A_1323 : vector<128xf32> to vector<128x1xf32>
    %eq3A_1325 = vector.broadcast %broadcast_in_dim3A_1324 : vector<128x1xf32> to vector<128x1024xf32>
    %eq3A_1326 = arith.cmpf oeq, %select_n3A_1318, %eq3A_1325 : vector<128x1024xf32>
    %jit3A_1327 = arith.constant 8192 : i32
    %broadcast_in_dim3A_1328 = vector.broadcast %jit3A_1327 : i32 to vector<128x1024xi32>
    %select_n3A_1329 = arith.select %eq3A_1326, %select_n3A_1319, %broadcast_in_dim3A_1328 : vector<128x1024xi1>, vector<128x1024xi32>
    %reduce_min3A_1330 = arith.constant dense<2147483647> : vector<128xi32>
    %reduce_min3A_1331 = vector.multi_reduction <minsi>, %select_n3A_1329, %reduce_min3A_1330 [1] : vector<128x1024xi32> to vector<128xi32>
    %broadcast_in_dim3A_1332 = vector.shape_cast %reduce_min3A_1331 : vector<128xi32> to vector<128x1xi32>
    %eq3A_1333 = vector.broadcast %broadcast_in_dim3A_1332 : vector<128x1xi32> to vector<128x1024xi32>
    %eq3A_1334 = arith.cmpi eq, %select_n3A_1319, %eq3A_1333 : vector<128x1024xi32>
    %select_n3A_1335 = arith.select %eq3A_1334, %select_n3A_1320, %select_n3A_1318 : vector<128x1024xi1>, vector<128x1024xf32>
    %select_n3A_1336 = arith.select %eq3A_1334, %select_n3A_1321, %select_n3A_1319 : vector<128x1024xi1>, vector<128x1024xi32>
    %reduce_min3A_1337 = arith.constant dense<0x7F800000> : vector<128xf32>
    %reduce_min3A_1338 = vector.multi_reduction <minimumf>, %select_n3A_1335, %reduce_min3A_1337 [1] : vector<128x1024xf32> to vector<128xf32>
    %broadcast_in_dim3A_1339 = vector.shape_cast %reduce_min3A_1338 : vector<128xf32> to vector<128x1xf32>
    %eq3A_1340 = vector.broadcast %broadcast_in_dim3A_1339 : vector<128x1xf32> to vector<128x1024xf32>
    %eq3A_1341 = arith.cmpf oeq, %select_n3A_1335, %eq3A_1340 : vector<128x1024xf32>
    %jit3A_1342 = arith.constant 8192 : i32
    %broadcast_in_dim3A_1343 = vector.broadcast %jit3A_1342 : i32 to vector<128x1024xi32>
    %select_n3A_1344 = arith.select %eq3A_1341, %select_n3A_1336, %broadcast_in_dim3A_1343 : vector<128x1024xi1>, vector<128x1024xi32>
    %reduce_min3A_1345 = arith.constant dense<2147483647> : vector<128xi32>
    %reduce_min3A_1346 = vector.multi_reduction <minsi>, %select_n3A_1344, %reduce_min3A_1345 [1] : vector<128x1024xi32> to vector<128xi32>
    %broadcast_in_dim3A_1347 = vector.shape_cast %reduce_min3A_1346 : vector<128xi32> to vector<128x1xi32>
    %concatenate3A = tpu.concatenate %broadcast_in_dim3A_480, %broadcast_in_dim3A_510, %broadcast_in_dim3A_540, %broadcast_in_dim3A_570, %broadcast_in_dim3A_600, %broadcast_in_dim3A_630, %broadcast_in_dim3A_660, %broadcast_in_dim3A_690, %broadcast_in_dim3A_720, %broadcast_in_dim3A_750, %broadcast_in_dim3A_780, %broadcast_in_dim3A_810, %broadcast_in_dim3A_840, %broadcast_in_dim3A_870, %broadcast_in_dim3A_900, %broadcast_in_dim3A_930, %broadcast_in_dim3A_960, %broadcast_in_dim3A_990, %broadcast_in_dim3A_1020, %broadcast_in_dim3A_1050, %broadcast_in_dim3A_1080, %broadcast_in_dim3A_1110, %broadcast_in_dim3A_1140, %broadcast_in_dim3A_1170, %broadcast_in_dim3A_1200, %broadcast_in_dim3A_1227, %broadcast_in_dim3A_1252, %broadcast_in_dim3A_1275, %broadcast_in_dim3A_1296, %broadcast_in_dim3A_1315, %broadcast_in_dim3A_1332, %broadcast_in_dim3A_1347 in 1 : vector<128x1xi32>, vector<128x1xi32>, vector<128x1xi32>, vector<128x1xi32>, vector<128x1xi32>, vector<128x1xi32>, vector<128x1xi32>, vector<128x1xi32>, vector<128x1xi32>, vector<128x1xi32>, vector<128x1xi32>, vector<128x1xi32>, vector<128x1xi32>, vector<128x1xi32>, vector<128x1xi32>, vector<128x1xi32>, vector<128x1xi32>, vector<128x1xi32>, vector<128x1xi32>, vector<128x1xi32>, vector<128x1xi32>, vector<128x1xi32>, vector<128x1xi32>, vector<128x1xi32>, vector<128x1xi32>, vector<128x1xi32>, vector<128x1xi32>, vector<128x1xi32>, vector<128x1xi32>, vector<128x1xi32>, vector<128x1xi32>, vector<128x1xi32> -> vector<128x32xi32>
    %mul3A_1348 = arith.constant 8192 : i32
    %mul3A_1349 = arith.muli %arg0, %mul3A_1348 : i32
    %add3A_1350 = vector.broadcast %mul3A_1349 : i32 to vector<128x32xi32>
    %add3A_1351 = arith.addi %concatenate3A, %add3A_1350 : vector<128x32xi32>
    %swap3A = arith.constant 0 : index
    %swap3A_1352 = arith.constant 0 : index
    %swap3A_1353 = arith.constant 0 : index
    %swap3A_1354 = vector.load %arg4[%swap3A, %swap3A_1352, %swap3A_1353] : memref<1x128x32xi32, #tpu.memory_space<vmem>>, vector<1x128x32xi32>
    %swap3A_1355 = vector.shape_cast %swap3A_1354 : vector<1x128x32xi32> to vector<128x32xi32>
    %swap3A_1356 = vector.shape_cast %add3A_1351 : vector<128x32xi32> to vector<1x128x32xi32>
    tpu.vector_store %arg4[%swap3A, %swap3A_1352, %swap3A_1353], %swap3A_1356 {strides = array<i32>} : memref<1x128x32xi32, #tpu.memory_space<vmem>>, vector<1x128x32xi32>,
    return
  }
  func.func @transform_0(%arg0: i32, %arg1: i32) -> (i32, i32, i32) {
    %c0_i32 = arith.constant 0 : i32
    %c0_i32_0 = arith.constant 0 : i32
    %c0_i32_1 = arith.constant 0 : i32
    return %arg0, %c0_i32, %c0_i32_0 : i32, i32, i32
  }
  func.func @transform_1(%arg0: i32, %arg1: i32) -> (i32, i32, i32, i32) {
    %c0_i32 = arith.constant 0 : i32
    %c0_i32_0 = arith.constant 0 : i32
    %c0_i32_1 = arith.constant 0 : i32
    return %arg0, %c0_i32, %arg1, %c0_i32_0 : i32, i32, i32, i32
  }
  func.func @transform_2(%arg0: i32, %arg1: i32) -> (i32, i32, i32) {
    %c0_i32 = arith.constant 0 : i32
    %c0_i32_0 = arith.constant 0 : i32
    return %arg0, %arg1, %c0_i32 : i32, i32, i32
  }
}

</mosaic_0001>

<sc_bundles>
// kernel: kernel.4.cloned.1.call-start
scs
__scs_entry_jumppad:
0x0: {  	(pc) =	sbr.rel $0x88, $3  }
0x1: {  	(tag) =	ssettag $0x0;
	lr =	simm.s32 $0x1  }
0x2: {  	[smem:$0x3F9F] =	sst lr;
	_ =	strace $0xD0000000  }
0x3: {  	_ = 	snop  }
0x4: {  	_ = 	snop  }
0x5: {  	_ = 	snop  }
0x6: {  	_ = 	snop  }
0x7: {  	_ = 	snop  }
__scs_overlays_trampoline_lowered:
0x8: {  	[smem:$0x3FAE] =	sst s0  }
0x9: {  	[smem:$0x3FAF] =	sst s1  }
0xa: {  	[smem:$0x3FB0] =	sst s2  }
0xb: {  	[smem:$0x3FB1] =	sst s3  }
0xc: {  	[smem:$0x3FB2] =	sst s4  }
0xd: {  	[smem:$0x3FB3] =	sst s5  }
0xe: {  	[smem:$0x3FB4] =	sst s6  }
0xf: {  	[smem:$0x3FB5] =	sst s7  }
0x10: {  	[smem:$0x3FB6] =	sst s8  }
0x11: {  	[smem:$0x3FB7] =	sst s9;
	s0 =	simm.s32 @!p0 $0x0  }
0x12: {  	s1 =	sld [smem:$0x3F9D];
	s0 =	simm.s32 @p0 $0x1  }
0x13: {  	[smem:$0x3FB8] =	sst s0;
	s0 =	simm.s32 @!p1 $0x0  }
0x14: {  	s2 =	sld [smem:$0x3F9C];
	s0 =	simm.s32 @p1 $0x1  }
0x15: {  	[smem:$0x3FB9] =	sst s0;
	s0 =	simm.s32 @!p2 $0x0  }
0x16: {  	s3 =	sld [smem:$0x3FDB];
	s0 =	simm.s32 @p2 $0x1  }
0x17: {  	s4 =	simm.s32 $0x1BF5;
	[smem:$0x3FBB] =	sst s0  }
0x18: {  	s0 =	sld [smem:$0x3F9E];
	_ =	swait.ge [sflag:s4], $0x0  }
0x19: {  	s7 =	sld [smem:$0x3F9F]  }
0x1a: {  	s8 =	sadd.s32 $0xFFFFE003, lr  }
0x1b: {  	s9 =	sadd.s32 $0xFFFFFEF7, lr;
	s5 =	simm.s32 $0xFFFFFFFF;
	p2 =	slt.u32 s8, $0xFFFFF086  }
0x1c: {  	p1 =	slt.u32 s9, $0xF7A;
	s5 =	simm.s32 @!p2 $0x0  }
0x1d: {  	s5 =	simm.s32 @p1 $0x1;
	p0 =	seq.s32 s7, s2  }
0x1e: {  	s7 =	smul.u32 @!p0 $0xF7A, s2;
	p2 =	seq.s32 @!p0 s5, $0x0  }
0x1f: {  	s9 =	smul.u32 $0xF7A, s1;
	s8 =	simm.s32 @!p0 $0x1BF5;
	p2 =	por !p2, p0  }
0x20: {  	[sflag:s8] =	ssyncset.s32 @!p0 $0xFFFFF086;
	s6 =	sadd.s32 @!p0 s3, s7;
	s7 =	simm.s32 @!p0 $0x108  }
0x21: {  	s3 =	sadd.s32 s3, s9;
	s6 =	sadd.s32 @!p0 $0x88, s6;
	s7 =	simm.s32 @p2 $0x1082  }
0x22: {  	[simem:s7], [sflag:s8] =	dma.local @!p0 [hbm:s6], $0xF7A  }
0x23: {  	s9 =	sor.u32 $0xD0000000, s2;
	s6 =	simm.s32 $0x108;
	_ =	swait.ge @!p0 [sflag:s8], $0x0  }
0x24: {  	s3 =	sadd.s32 $0x88, s3;
	s6 =	simm.s32 @!p1 $0x1082;
	[sflag:s4] =	ssyncset.s32 $0xFFFFF086  }
0x25: {  	[simem:s6], [sflag:s4] =	dma.local [hbm:s3], $0xF7A  }
0x26: {  	[smem:$0x3F9F] =	sst s1;
	(tag) =	ssettag s2;
	_ =	strace s9  }
0x27: {  	s1 =	sld [smem:$0x3FAF]  }
0x28: {  	s2 =	sld [smem:$0x3FB0]  }
0x29: {  	s4 =	sld [smem:$0x3FB2]  }
0x2a: {  	p0 =	seq.s32 s5, $0x0;
	s5 =	sld [smem:$0x3FB3]  }
0x2b: {  	s6 =	sld [smem:$0x3FB4]  }
0x2c: {  	s7 =	sld [smem:$0x3FB5]  }
0x2d: {  	s3 =	simm.s32 $0x108;
	s8 =	sld [smem:$0x3FB6]  }
0x2e: {  	s3 =	simm.s32 @!p0 $0x1082;
	s9 =	sld [smem:$0x3FB7]  }
0x2f: {  	lr =	sadd.s32 s0, s3;
	s0 =	sld [smem:$0x3FAE]  }
0x30: {  	s3 =	sld [smem:$0x3FB1]  }
0x31: {  	[smem:$0x3FBA] =	sst s10  }
0x32: {  	s10 =	sld [smem:$0x3FB8];
	_ =	sdelay $0x3  }
0x33: {  	p0 =	seq.s32 s10, $0x1;
	s10 =	sld [smem:$0x3FBA];
	_ =	sdelay $0x3  }
0x34: {  	[smem:$0x3FBA] =	sst s10  }
0x35: {  	s10 =	sld [smem:$0x3FB9];
	_ =	sdelay $0x3  }
0x36: {  	p1 =	seq.s32 s10, $0x1;
	s10 =	sld [smem:$0x3FBA];
	_ =	sdelay $0x3  }
0x37: {  	[smem:$0x3FBA] =	sst s10  }
0x38: {  	s10 =	sld [smem:$0x3FBB]  }
0x39: {  	_ = 	snop;
	(pc) =	sbr.ind lr, $3  }
0x3a: {  	_ = 	snop  }
0x3b: {  	_ = 	snop  }
0x3c: {  	p2 =	seq.s32 s10, $0x1;
	s10 =	sld [smem:$0x3FBA]  }
0x3d: {  	_ =	shalt  }
0x3e: {  	_ =	shalt  }
0x3f: {  	_ =	shalt  }
0x40: {  	_ =	shalt  }
0x41: {  	_ =	shalt  }
0x42: {  	_ =	shalt  }
0x43: {  	_ =	shalt  }
0x44: {  	_ =	shalt  }
0x45: {  	_ =	shalt  }
0x46: {  	_ =	shalt  }
0x47: {  	_ =	shalt  }
0x48: {  	_ =	shalt  }
0x49: {  	_ =	shalt  }
0x4a: {  	_ =	shalt  }
0x4b: {  	_ =	shalt  }
0x4c: {  	_ =	shalt  }
0x4d: {  	_ =	shalt  }
0x4e: {  	_ =	shalt  }
0x4f: {  	_ =	shalt  }
0x50: {  	_ =	shalt  }
0x51: {  	_ =	shalt  }
0x52: {  	_ =	shalt  }
0x53: {  	_ =	shalt  }
0x54: {  	_ =	shalt  }
0x55: {  	_ =	shalt  }
0x56: {  	_ =	shalt  }
0x57: {  	_ =	shalt  }
0x58: {  	_ =	shalt  }
0x59: {  	_ =	shalt  }
0x5a: {  	_ =	shalt  }
0x5b: {  	_ =	shalt  }
0x5c: {  	_ =	shalt  }
0x5d: {  	_ =	shalt  }
0x5e: {  	_ =	shalt  }
0x5f: {  	_ =	shalt  }
0x60: {  	_ =	shalt  }
0x61: {  	_ =	shalt  }
0x62: {  	_ =	shalt  }
0x63: {  	_ =	shalt  }
0x64: {  	_ =	shalt  }
0x65: {  	_ =	shalt  }
0x66: {  	_ =	shalt  }
0x67: {  	_ =	shalt  }
0x68: {  	_ =	shalt  }
0x69: {  	_ =	shalt  }
0x6a: {  	_ =	shalt  }
0x6b: {  	_ =	shalt  }
0x6c: {  	_ =	shalt  }
0x6d: {  	_ =	shalt  }
0x6e: {  	_ =	shalt  }
0x6f: {  	_ =	shalt  }
0x70: {  	_ =	shalt  }
0x71: {  	_ =	shalt  }
0x72: {  	_ =	shalt  }
0x73: {  	_ =	shalt  }
0x74: {  	_ =	shalt  }
0x75: {  	_ =	shalt  }
0x76: {  	_ =	shalt  }
0x77: {  	_ =	shalt  }
0x78: {  	_ =	shalt  }
0x79: {  	_ =	shalt  }
0x7a: {  	_ =	shalt  }
0x7b: {  	_ =	shalt  }
0x7c: {  	_ =	shalt  }
0x7d: {  	_ =	shalt  }
0x7e: {  	_ =	shalt  }
0x7f: {  	_ =	shalt  }
0x80: {  	_ =	shalt  }
0x81: {  	_ =	shalt  }
0x82: {  	_ =	shalt  }
0x83: {  	_ =	shalt  }
0x84: {  	_ =	shalt  }
0x85: {  	_ =	shalt  }
0x86: {  	_ =	shalt  }
0x87: {  	_ =	shalt  }
.Lfunc_end0:
.L_simem_size_0:
called_computation_lowered:
.L_overlay_start_0:
0x88: {  	s2 =	sld [smem:$0x3FD9]  }
0x89: {  	s3 =	sld [smem:$0x3FFE];
	_ =	sdelay $0x1  }
0x8a: {  	s1 =	srdreg.scid  }
0x8b: {  	s0 =	sand.u32 $0x1, s1  }
0x8c: {  	s14 =	sshll.u32 s0, $0xA;
	s2 =	sadd.s32 s3, s2  }
0x8d: {  	s2 =	sadd.s32 s2, s14  }
0x8e: {  	[smem:$0x3FC6] =	sst s2  }
0x8f: {  	_ = 	snop  }
0x90: {  	s2 =	sld [smem:$0x3FD0];
	_ =	sdelay $0x2  }
0x91: {  	s4 =	simm.s32 $0xA;
	s5 =	simm.s32 $0x10;
	s15 =	sld [smem:$0x3FC8]  }
0x92: {  	[smem:s5], [sflag:s4] =	dma.local [hbm:s2], $0x1  }
0x93: {  	_ =	swait.eq [sflag:s4], $0x1  }
0x94: {  	[sflag:s4] =	ssyncset.done $0x0  }
0x95: {  	s16 =	sld [smem:$0x12];
	[sflag:s4] =	ssyncadd.s32 $0xFFFFFFFF  }
0x96: {  	s17 =	sld [smem:$0x13];
	(tm) =	ssettm $0x1  }
0x97: {  	s18 =	sld [smem:$0x3FFB];
	_ =	sdelay $0x3  }
0x98: {  	_ =	strace s18  }
0x99: {  	s5 =	sld [smem:$0x3FFC];
	_ =	sdelay $0x3  }
0x9a: {  	_ =	strace s5  }
0x9b: {  	s5 =	sld [smem:$0x3FFD];
	_ =	sdelay $0x3  }
0x9c: {  	_ =	strace s5  }
0x9d: {  	_ =	strace $0x8FFFFFFF  }
0x9e: {  	s19 =	sld [smem:$0x3FDB];
	_ =	sdelay $0x1  }
0x9f: {  	s6 =	simm.s32 $_scs_section_size  }
0xa0: {  	s7 =	simm.s32 $_size__tile_overlayer_lowered;
	s8 =	simm.s32 $_tile_overlayer_lowered  }
0xa1: {  	s22 =	simm.s32 $0x1BFF;
	s21 =	sshll.u32 s8, $0x1;
	s5 =	sadd.s32 s6, s19  }
0xa2: {  	s9 =	simm.s32 $0x0;
	s20 =	sshll.u32 s7, $0x1;
	s7 =	sadd.s32 s21, s5  }
0xa3: {  	[timem:s9], [sflag:s22] =	dma.local [hbm:s7], s20  }
0xa4: {  	_ =	swait.ge [sflag:s22], s20  }
0xa5: {  	s6 =	ssub.s32 $0x0, s20;
	[sflag:s22] =	ssyncset.done $0x0  }
0xa6: {  	[sflag:s22] =	ssyncadd.s32 s6;
	_ =	sdelay $0x1  }
0xa7: {  	s23 =	simm.s32 $0x1B8B  }
0xa8: {  	_ =	swait.ge [sflag:s23], $0x1  }
0xa9: {  	[sflag:s23] =	ssyncset.done $0x0  }
0xaa: {  	s25 =	simm.s32 $0x1B8E;
	s24 =	sld [smem:$0x3FFE];
	[sflag:s23] =	ssyncadd.s32 $0xFFFFFFFF  }
0xab: {  	s26 =	simm.s32 $execute0_lowered;
	[smem:$0x3FD2] =	sst s25  }
0xac: {  	s7 =	sshll.u32 s26, $0x1;
	_ =	strace $0x80000046;
	[dreg:$0x1] =	wrdreg $0xFFFFFFFF  }
0xad: {  	s28 =	simm.s32 $_size_execute0_lowered;
	s5 =	sadd.s32 s5, s7;
	[dreg:$0x0] =	wrdreg $0x0  }
0xae: {  	s7 =	sshll.u32 s28, $0x1;
	[dreg:$0x2] =	wrdreg s5  }
0xaf: {  	[dreg:$0x3] =	wrdreg s7  }
0xb0: {  	[dreg:$0x4] =	wrdreg $0xC0  }
0xb1: {  	_ =	task [dreg:s9], $0x5FFFF  }
0xb2: {  	[dreg:$0x1] =	wrdreg $0xFFFFFFFF  }
0xb3: {  	[dreg:$0x0] =	wrdreg $0x60  }
0xb4: {  	[dreg:$0x2] =	wrdreg s15  }
0xb5: {  	[dreg:$0x3] =	wrdreg s24  }
0xb6: {  	[dreg:$0x4] =	wrdreg s16  }
0xb7: {  	[dreg:$0x5] =	wrdreg s17  }
0xb8: {  	[dreg:$0x6] =	wrdreg $0x9  }
0xb9: {  	_ =	task.clear_ibuf [dreg:s9], $0x7FFFF;
	_ =	strace $0x90000046  }
0xba: {  	s29 =	simm.s32 $0x9;
	_ =	strace $0x80000048  }
0xbb: {  	_ =	swait.ge [sflag:s29], $0x1  }
0xbc: {  	[sflag:s29] =	ssyncadd.s32 $0xFFFFFFFF  }
0xbd: {  	_ =	strace $0x90000048  }
0xbe: {  	_ =	sfence  }
0xbf: {  	s30 =	sld [smem:$0x0];
	_ =	sdelay $0x2  }
0xc0: {  	s31 =	sshll.u32 s1, $0xD;
	s1 =	sshrl.u32 s1, $0x2  }
0xc1: {  	s3 =	sand.u32 $0x4000, s31;
	s1 =	sadd.s32 s1, s30  }
0xc2: {  	s0 =	sor.u32 s3, s0;
	s1 =	sshll.u32 s1, $0x11  }
0xc3: {  	s0 =	sor.u32 s1, s0  }
0xc4: {  	s0 =	sadd.s32 $0x8F2B, s0  }
0xc5: {  	[sflag:s0] =	ssyncadd.remote.s32 $0x1  }
0xc6: {  	_ =	sfence.sel $0xFFFF  }
0xc7: {  	[dreg:$0x0] =	wrdreg $0xFFFFFFFF;
	(pc) =	sbr.abs _section_cstart, $3  }
0xc8: {  	[dreg:$0x1] =	wrdreg $0xFFFFFFFF  }
0xc9: {  	_ =	task.clear_ibuf [dreg:s9], $0x2FFFF;
	_ =	strace $0x9FFFFFFF  }
0xca: {  	(tm) =	ssettm $0x7FFFFFFF  }
0xcb: {  	_ =	shalt  }
tec
execute0_lowered:
.L_overlay_start_1:
0x0: {  	(tag) =	ssettag $0x1  }
0x1: {  	s1 =	rddreg [dreg:$0x0]  }
0x2: {  	s5 =	rddreg [dreg:$0x1]  }
0x3: {  	s9 =	rddreg [dreg:$0x2]  }
0x4: {  	s6 =	rddreg [dreg:$0x3]  }
0x5: {  	s0 =	rddreg [dreg:$0x4];
	s2 =	simm.s32 $0x0  }
0x6: {  	s3 =	srdreg.scid;
	s14 =	simm.s32 $0x4100;
	s15 =	simm.s32 $0xC100  }
0x7: {  	s16 =	simm.s32 $0x1;
	s17 =	simm.s32 $0x3;
	s18 =	simm.s32 $0x2  }
0x8: {  	s19 =	simm.s32 $0x4;
	s20 =	simm.s32 $0x0;
	[smem:$0x7FF] =	sst s2  }
0x9: {  	s7 =	sand.u32 $0x1, s3;
	s3 =	stileid.u32;
	s4 =	sadd.s32 $0xC00, s5  }
0xa: {  	_ =	strace $0x80000047;
	s8 =	ssub.s32 $0x2, s7;
	s10 =	sshll.u32 s3, $0x11  }
0xb: {  	s29 =	sshll.u32 s3, $0xD;
	s12 =	sshll.u32 s7, $0xC;
	s7 =	sshll.u32 s7, $0x10  }
0xc: {  	s11 =	sshrl.u32 s8, $0x1;
	s13 =	sadd.s32 s10, s5;
	s6 =	sadd.s32 s10, s6  }
0xd: {  	s10 =	simm.s32 $0x5;
	s8 =	ssub.s32 s8, s11;
	s11 =	sor.u32 s12, s29  }
0xe: {  	s6 =	sadd.s32 s7, s6;
	s7 =	sadd.s32 s7, s13;
	s12 =	simm.s32 $0x100  }
0xf: {  	s13 =	simm.s32 $0x8100;
	s5 =	smax.u32 s8, $0x1;
	s30 =	sor.u32 $0x80, s11  }
0x10: {  	s7 =	sadd.s32 $0x100C00, s7;
	s31 =	sshrl.u32 s11, $0x3;
	s8 =	sshrl.u32 s30, $0x3  }
0x11: {  	s11 =	simm.s32 $0x80;
	s8 =	sadd.s32 s8, s9;
	s9 =	sadd.s32 s31, s9  }
.LBB2_1:
0x12: {  	[tilespmem:s2], [sflag:$0x5] =	stream.linear.gather [hbm4b:s9+s2], $0x80, $0x38;
	[tilespmem:$0x10100] =	vst v63  }
0x13: {  	_ =	swait.ge [sflag:s10], $0x80  }
0x14: {  	[sflag:s10] =	ssyncset.done $0x0  }
0x15: {  	[sflag:s10] =	ssyncadd.s32 $0xFFFFFF80  }
0x16: {  	[tilespmem:s12], [sflag:$0x1] =	stream.indirect.gather [hbm4b:s1+s11], $0x80, s2, s11, $0xb8;
	[tilespmem:$0x10100] =	vst v63  }
0x17: {  	_ = 	snop  }
0x18: {  	[tilespmem:s13], [sflag:$0x3] =	stream.indirect.gather [hbm4b:s4+s11], $0x80, s2, s11, $0xb8;
	[tilespmem:$0x10100] =	vst v63  }
0x19: {  	_ = 	snop  }
0x1a: {  	[tilespmem:s11], [sflag:$0x5] =	stream.linear.gather [hbm4b:s8+s2], $0x80, $0x38;
	[tilespmem:$0x10100] =	vst v63  }
0x1b: {  	_ =	swait.ge [sflag:s10], $0x80  }
0x1c: {  	[sflag:s10] =	ssyncset.done $0x0  }
0x1d: {  	[sflag:s10] =	ssyncadd.s32 $0xFFFFFF80  }
0x1e: {  	[tilespmem:s14], [sflag:$0x2] =	stream.indirect.gather [hbm4b:s1+s11], $0x80, s11, s11, $0xb8;
	[tilespmem:$0x10100] =	vst v63  }
0x1f: {  	_ = 	snop  }
0x20: {  	[tilespmem:s15], [sflag:$0x4] =	stream.indirect.gather [hbm4b:s4+s11], $0x80, s11, s11, $0xb8;
	[tilespmem:$0x10100] =	vst v63  }
0x21: {  	_ =	swait.ge [sflag:s16], $0x4000  }
0x22: {  	[sflag:s16] =	ssyncset.done $0x0  }
0x23: {  	[sflag:s16] =	ssyncadd.s32 $0xFFFFC000  }
0x24: {  	_ =	swait.ge [sflag:s17], $0x4000  }
0x25: {  	[sflag:s17] =	ssyncset.done $0x0  }
0x26: {  	s21 =	sadd.s32 $0x0, s6;
	[sflag:s17] =	ssyncadd.s32 $0xFFFFC000  }
0x27: {  	[hbm4b:s21+s2] =	stream.linear.scatter [tilespmem:s12], [sflag:$0x5], $0x4000, $0x38;
	[tilespmem:$0x10100] =	vst v63  }
0x28: {  	_ =	swait.ge [sflag:s10], $0x4000  }
0x29: {  	[sflag:s10] =	ssyncset.done $0x0  }
0x2a: {  	s22 =	sadd.s32 $0x0, s7;
	[sflag:s10] =	ssyncadd.s32 $0xFFFFC000  }
0x2b: {  	[hbm4b:s22+s2] =	stream.linear.scatter [tilespmem:s13], [sflag:$0x5], $0x4000, $0x38;
	[tilespmem:$0x10100] =	vst v63  }
0x2c: {  	_ =	swait.ge [sflag:s10], $0x4000  }
0x2d: {  	[sflag:s10] =	ssyncset.done $0x0  }
0x2e: {  	[sflag:s10] =	ssyncadd.s32 $0xFFFFC000  }
0x2f: {  	_ =	swait.ge [sflag:s18], $0x4000  }
0x30: {  	[sflag:s18] =	ssyncset.done $0x0  }
0x31: {  	[sflag:s18] =	ssyncadd.s32 $0xFFFFC000  }
0x32: {  	_ =	swait.ge [sflag:s19], $0x4000  }
0x33: {  	[sflag:s19] =	ssyncset.done $0x0  }
0x34: {  	s21 =	sadd.s32 $0x800, s21;
	[sflag:s19] =	ssyncadd.s32 $0xFFFFC000  }
0x35: {  	[hbm4b:s21+s2] =	stream.linear.scatter [tilespmem:s14], [sflag:$0x5], $0x4000, $0x38;
	[tilespmem:$0x10100] =	vst v63  }
0x36: {  	_ =	swait.ge [sflag:s10], $0x4000  }
0x37: {  	[sflag:s10] =	ssyncset.done $0x0  }
0x38: {  	s31 =	sadd.s32 $0x800, s22;
	[sflag:s10] =	ssyncadd.s32 $0xFFFFC000  }
0x39: {  	[hbm4b:s31+s2] =	stream.linear.scatter [tilespmem:s15], [sflag:$0x5], $0x4000, $0x38;
	[tilespmem:$0x10100] =	vst v63  }
0x3a: {  	s23 =	smov.u32 s9;
	_ =	swait.ge [sflag:s10], $0x4000  }
0x3b: {  	s22 =	smov.u32 s8;
	s21 =	simm.s32 $0x1000;
	[sflag:s10] =	ssyncset.done $0x0  }
.LBB2_2:
0x3c: {  	[sflag:s10] =	ssyncadd.s32 $0xFFFFC000  }
0x3d: {  	s22 =	sadd.s32 $0x20, s22;
	s23 =	sadd.s32 $0x20, s23;
	s24 =	smov.u32 s21  }
0x3e: {  	[tilespmem:s2], [sflag:$0x5] =	stream.linear.gather [hbm4b:s23+s2], $0x80, $0x38;
	[tilespmem:$0x10100] =	vst v63  }
0x3f: {  	p0 =	sne.s32 s21, $0xF000;
	s21 =	sadd.s32 $0x1000, s21;
	_ =	swait.ge [sflag:s10], $0x80  }
0x40: {  	[sflag:s10] =	ssyncset.done $0x0  }
0x41: {  	[sflag:s10] =	ssyncadd.s32 $0xFFFFFF80  }
0x42: {  	[tilespmem:s12], [sflag:$0x1] =	stream.indirect.gather [hbm4b:s1+s11], $0x80, s2, s11, $0xb8;
	[tilespmem:$0x10100] =	vst v63  }
0x43: {  	_ = 	snop  }
0x44: {  	[tilespmem:s13], [sflag:$0x3] =	stream.indirect.gather [hbm4b:s4+s11], $0x80, s2, s11, $0xb8;
	[tilespmem:$0x10100] =	vst v63  }
0x45: {  	_ = 	snop  }
0x46: {  	[tilespmem:s11], [sflag:$0x5] =	stream.linear.gather [hbm4b:s22+s2], $0x80, $0x38;
	[tilespmem:$0x10100] =	vst v63  }
0x47: {  	_ =	swait.ge [sflag:s10], $0x80  }
0x48: {  	[sflag:s10] =	ssyncset.done $0x0  }
0x49: {  	[sflag:s10] =	ssyncadd.s32 $0xFFFFFF80  }
0x4a: {  	[tilespmem:s14], [sflag:$0x2] =	stream.indirect.gather [hbm4b:s1+s11], $0x80, s11, s11, $0xb8;
	[tilespmem:$0x10100] =	vst v63  }
0x4b: {  	_ = 	snop  }
0x4c: {  	[tilespmem:s15], [sflag:$0x4] =	stream.indirect.gather [hbm4b:s4+s11], $0x80, s11, s11, $0xb8;
	[tilespmem:$0x10100] =	vst v63  }
0x4d: {  	_ =	swait.ge [sflag:s16], $0x4000  }
0x4e: {  	[sflag:s16] =	ssyncset.done $0x0  }
0x4f: {  	[sflag:s16] =	ssyncadd.s32 $0xFFFFC000  }
0x50: {  	_ =	swait.ge [sflag:s17], $0x4000  }
0x51: {  	[sflag:s17] =	ssyncset.done $0x0  }
0x52: {  	s25 =	sadd.s32 s24, s6;
	[sflag:s17] =	ssyncadd.s32 $0xFFFFC000  }
0x53: {  	[hbm4b:s25+s2] =	stream.linear.scatter [tilespmem:s12], [sflag:$0x5], $0x4000, $0x38;
	[tilespmem:$0x10100] =	vst v63  }
0x54: {  	_ =	swait.ge [sflag:s10], $0x4000  }
0x55: {  	[sflag:s10] =	ssyncset.done $0x0  }
0x56: {  	s24 =	sadd.s32 s24, s7;
	[sflag:s10] =	ssyncadd.s32 $0xFFFFC000  }
0x57: {  	[hbm4b:s24+s2] =	stream.linear.scatter [tilespmem:s13], [sflag:$0x5], $0x4000, $0x38;
	[tilespmem:$0x10100] =	vst v63  }
0x58: {  	_ =	swait.ge [sflag:s10], $0x4000  }
0x59: {  	[sflag:s10] =	ssyncset.done $0x0  }
0x5a: {  	[sflag:s10] =	ssyncadd.s32 $0xFFFFC000  }
0x5b: {  	_ =	swait.ge [sflag:s18], $0x4000  }
0x5c: {  	[sflag:s18] =	ssyncset.done $0x0  }
0x5d: {  	[sflag:s18] =	ssyncadd.s32 $0xFFFFC000  }
0x5e: {  	_ =	swait.ge [sflag:s19], $0x4000  }
0x5f: {  	[sflag:s19] =	ssyncset.done $0x0  }
0x60: {  	s25 =	sadd.s32 $0x800, s25;
	[sflag:s19] =	ssyncadd.s32 $0xFFFFC000  }
0x61: {  	[hbm4b:s25+s2] =	stream.linear.scatter [tilespmem:s14], [sflag:$0x5], $0x4000, $0x38;
	[tilespmem:$0x10100] =	vst v63  }
0x62: {  	_ =	swait.ge [sflag:s10], $0x4000  }
.Ltmp0:
0x63: {  	[sflag:s10] =	ssyncset.done $0x0;
	(pc) =	sbr.rel @p0 .LBB2_2-.Ltmp0, $4  }
0x64: {  	s24 =	sadd.s32 $0x800, s24;
	[sflag:s10] =	ssyncadd.s32 $0xFFFFC000  }
0x65: {  	[hbm4b:s24+s2] =	stream.linear.scatter [tilespmem:s15], [sflag:$0x5], $0x4000, $0x38;
	[tilespmem:$0x10100] =	vst v63  }
0x66: {  	_ =	swait.ge [sflag:s10], $0x4000  }
0x67: {  	[sflag:s10] =	ssyncset.done $0x0  }
0x68: {  	s20 =	sadd.s32 $0x1, s20  }
0x69: {  	p0 =	sne.s32 s20, s5  }
.Ltmp1:
0x6a: {  	_ = 	snop;
	(pc) =	sbr.rel @p0 .LBB2_1-.Ltmp1, $2  }
0x6b: {  	_ =	sdelay $0x2  }
0x6c: {  	[sflag:s10] =	ssyncadd.s32 $0xFFFFC000  }
0x6d: {  	_ =	sfence.sel $0x180000  }
0x6e: {  	[bflag:$0x0] =	sbarrier.arrive $0xFFFF  }
0x6f: {  	p0 =	sne.s32 s3, $0x0;
	_ =	strace $0x90000047  }
0x70: {  	s0 =	sadd.s32 @!p0 $0x100000, s0;
	[bflag:$0x2] =	sbarrier.arrive $0xFFFF  }
0x71: {  	[sflag:s0] =	ssyncadd.tile.s32 @!p0 $0x1;
	_ =	shalt  }
.Lfunc_end2:
_tile_overlayer_lowered:
.L_overlay_start_2:
0x72: {  	(tag) =	ssettag $0x2  }
0x73: {  	s0 =	rddreg [dreg:$0x0];
	s2 =	stileid.u32  }
0x74: {  	s1 =	rddreg [dreg:$0x1];
	p0 =	sne.s32 s2, $0x0  }
0x75: {  	s3 =	rddreg [dreg:$0x2];
	[bflag:$0x3] =	sbarrier.arrive $0xFFFF;
	s2 =	simm.s32 @!p0 $0x1C05  }
0x76: {  	[timem:s3], [sflag:s2] =	dma.local @!p0 [hbm:s0], s1  }
0x77: {  	s0 =	simm.s32 @!p0 $0x5  }
0x78: {  	_ =	swait.ge @!p0 [sflag:s0], s1  }
0x79: {  	s1 =	ssub.s32 @!p0 $0x0, s1;
	[sflag:s0] =	ssyncset.done @!p0 $0x0  }
0x7a: {  	[sflag:s0] =	ssyncadd.s32 @!p0 s1  }
0x7b: {  	[bflag:$0x3] =	sbarrier.arrive $0xFFFF  }
0x7c: {  	_ =	shalt  }

</sc_bundles>
